<compile_context>
chip_gen: v7x
topology: tpu7x:2x2x1
jax: 0.10.2.dev20260603
libtpu: 0.0.44.dev20260713+nightly
codegen_flags: <defaults>
</compile_context>

<pallas_src>
import functools

import jax
import jax.numpy as jnp
from jax import lax
from jax.experimental import pallas as pl
from jax.experimental.pallas import tpu as pltpu
from jax.experimental.pallas import tpu_sc as plsc

_NC = 2
_NS = 16
_CHUNK = 128
_W1 = 72
_DW = 8


def _make_segsum(acc_rows, w, rows_per_tile, extra, nbuf):
    mesh = plsc.VectorSubcoreMesh(core_axis_name="c", subcore_axis_name="s")
    zrows = acc_rows // _NS
    ngrp = rows_per_tile // nbuf
    tail = rows_per_tile % nbuf

    @functools.partial(
        pl.kernel,
        out_type=jax.ShapeDtypeStruct((_NC, acc_rows, w), jnp.float32),
        mesh=mesh,
        scratch_types=[
            pltpu.VMEM((rows_per_tile, _CHUNK), jnp.int32),
            pltpu.VMEM((rows_per_tile, _CHUNK), jnp.int32),
            pltpu.VMEM((1, _CHUNK), jnp.int32),
            pltpu.VMEM((1, _CHUNK), jnp.int32),
            [pltpu.VMEM((_CHUNK, w), jnp.float32) for _ in range(nbuf)],
            [pltpu.SemaphoreType.DMA for _ in range(nbuf)],
            pltpu.VMEM_SHARED((acc_rows, w), jnp.float32),
            pltpu.VMEM_SHARED((acc_rows, w), jnp.float32),
        ],
        compiler_params=pltpu.CompilerParams(use_tc_tiling_on_sc=False),
    )
    def segsum(table_hbm, src_hbm, dst_hbm, zeros_hbm, out_hbm,
               src_v, dst_v, src_x, dst_x, bufs, sems, table_sh, acc_sh):
        c = lax.axis_index("c")
        s = lax.axis_index("s")
        wid = c * _NS + s
        sl = pl.ds(s * zrows, zrows)

        base = wid * rows_per_tile
        stage = [
            pltpu.async_copy(table_hbm.at[sl], table_sh.at[sl], sems[0]),
            pltpu.async_copy(zeros_hbm.at[sl, pl.ds(0, w)], acc_sh.at[sl],
                             sems[0]),
            pltpu.async_copy(src_hbm.at[pl.ds(base, rows_per_tile)], src_v,
                             sems[0]),
            pltpu.async_copy(dst_hbm.at[pl.ds(base, rows_per_tile)], dst_v,
                             sems[0]),
        ]
        for cp in stage:
            cp.wait()
        if extra:
            @pl.when(wid < extra)
            def _():
                xrow = _NC * _NS * rows_per_tile + wid
                cps = [
                    pltpu.async_copy(src_hbm.at[pl.ds(xrow, 1)], src_x,
                                     sems[0]),
                    pltpu.async_copy(dst_hbm.at[pl.ds(xrow, 1)], dst_x,
                                     sems[0]),
                ]
                for cp in cps:
                    cp.wait()
        plsc.subcore_barrier()

        last = rows_per_tile - 1
        for b in range(nbuf):
            pltpu.async_copy(table_sh.at[src_v.at[min(b, last)]],
                             bufs[b], sems[b])

        def body(g, carry):
            for b in range(nbuf):
                j = g * nbuf + b
                pltpu.make_async_copy(
                    table_sh.at[src_v.at[j]], bufs[b], sems[b]).wait()
                pltpu.sync_copy(bufs[b], acc_sh.at[dst_v.at[j]], add=True)
                pltpu.async_copy(
                    table_sh.at[src_v.at[jnp.minimum(j + nbuf, last)]],
                    bufs[b], sems[b])
            return carry

        lax.fori_loop(0, ngrp, body, 0)
        for t in range(tail):
            j = ngrp * nbuf + t
            pltpu.make_async_copy(
                table_sh.at[src_v.at[j]], bufs[t], sems[t]).wait()
            pltpu.sync_copy(bufs[t], acc_sh.at[dst_v.at[j]], add=True)
        for b in range(tail, nbuf):
            pltpu.make_async_copy(
                table_sh.at[src_v.at[last]], bufs[b], sems[b]).wait()
        if extra:
            @pl.when(wid < extra)
            def _():
                pltpu.async_copy(table_sh.at[src_x.at[0]], bufs[0],
                                 sems[0]).wait()
                pltpu.sync_copy(bufs[0], acc_sh.at[dst_x.at[0]], add=True)
        plsc.subcore_barrier()

        pltpu.async_copy(acc_sh.at[sl], out_hbm.at[c, sl], sems[0]).wait()

    return segsum


def _proj_body(x_ref, w_ref, b_ref, o_ref):
    o_ref[...] = jnp.dot(x_ref[...], w_ref[...],
                         preferred_element_type=jnp.float32) + b_ref[...]


def _proj_aug_body(x_ref, w_ref, o_ref):
    y = jnp.dot(x_ref[...], w_ref[...], preferred_element_type=jnp.float32)
    ones = jnp.ones((y.shape[0], 1), jnp.float32)
    pad = jnp.zeros((y.shape[0], _W1 - 65), jnp.float32)
    o_ref[...] = jnp.concatenate([y, ones, pad], axis=1)


def _tc2_body(p_ref, r1_ref, wl_ref, h_ref, y2_ref):
    ssum = p_ref[0] + p_ref[1]
    agg = ssum[:, :64]
    deg = ssum[:, 64:65]
    recip = 1.0 / jnp.maximum(deg, 1.0)
    h = jnp.maximum(agg * recip + r1_ref[...], 0.0)
    h_ref[...] = h
    y2_ref[...] = jnp.dot(h, wl_ref[...], preferred_element_type=jnp.float32)


def _tc3_body(p2_ref, dg_ref, r2_ref, out_ref):
    ssum = p2_ref[0] + p2_ref[1]
    deg = dg_ref[0, :, 0:1] + dg_ref[1, :, 0:1]
    recip = 1.0 / jnp.maximum(deg, 1.0)
    out_ref[...] = ssum * recip + r2_ref[...]


def kernel(x, edge_index, W1l, b1, W1r, W2l, b2, W2r):
    n, d = x.shape
    h = W1l.shape[1]
    e = edge_index.shape[1]

    chunks = -(-e // _CHUNK)
    e_pad = chunks * _CHUNK
    src = edge_index[0].astype(jnp.int32)
    dst = edge_index[1].astype(jnp.int32)
    if e_pad > e:
        src = jnp.concatenate([src, jnp.zeros((e_pad - e,), jnp.int32)])
        dst = jnp.concatenate([dst, jnp.full((e_pad - e,), n, jnp.int32)])
    src2d = src.reshape(chunks, _CHUNK)
    dst2d = dst.reshape(chunks, _CHUNK)
    rows_per_tile = chunks // (_NC * _NS)
    extra = chunks % (_NC * _NS)

    acc_rows = -(-(n + 1) // (_NS * 8)) * (_NS * 8)
    zeros72 = jnp.zeros((acc_rows, _W1), jnp.float32)

    b1r = b1.reshape(1, h)
    b2r = b2.reshape(1, h)
    zb = jnp.zeros((1, h), jnp.float32)

    xblk = 1000 if n % 1000 == 0 else n
    xgrid = n // xblk
    blk = acc_rows // _NS
    ngrid = _NS

    def _proj(inp, w, b, rows, iblk, igrid, wdim):
        return pl.pallas_call(
            _proj_body,
            grid=(igrid,),
            in_specs=[
                pl.BlockSpec((iblk, wdim), lambda i: (i, 0)),
                pl.BlockSpec((wdim, h), lambda i: (0, 0)),
                pl.BlockSpec((1, h), lambda i: (0, 0)),
            ],
            out_specs=pl.BlockSpec((iblk, h), lambda i: (i, 0)),
            out_shape=jax.ShapeDtypeStruct((rows, h), jnp.float32),
        )(inp, w, b)

    y1aug = pl.pallas_call(
        _proj_aug_body,
        grid=(xgrid,),
        in_specs=[
            pl.BlockSpec((xblk, d), lambda i: (i, 0)),
            pl.BlockSpec((d, h), lambda i: (0, 0)),
        ],
        out_specs=pl.BlockSpec((xblk, _W1), lambda i: (i, 0)),
        out_shape=jax.ShapeDtypeStruct((acc_rows, _W1), jnp.float32),
    )(x, W1l)
    r1 = _proj(x, W1r, b1r, acc_rows, xblk, xgrid, d)

    p1 = _make_segsum(acc_rows, _W1, rows_per_tile, extra, 2)(
        y1aug, src2d, dst2d, zeros72)
    dgc = p1[:, :, 64:64 + _DW]

    harr, y2 = pl.pallas_call(
        _tc2_body,
        grid=(ngrid,),
        in_specs=[
            pl.BlockSpec((_NC, blk, _W1), lambda i: (0, i, 0)),
            pl.BlockSpec((blk, h), lambda i: (i, 0)),
            pl.BlockSpec((h, h), lambda i: (0, 0)),
        ],
        out_specs=[
            pl.BlockSpec((blk, h), lambda i: (i, 0)),
            pl.BlockSpec((blk, h), lambda i: (i, 0)),
        ],
        out_shape=[
            jax.ShapeDtypeStruct((acc_rows, h), jnp.float32),
            jax.ShapeDtypeStruct((acc_rows, h), jnp.float32),
        ],
    )(p1, r1, W2l)

    p2 = _make_segsum(acc_rows, h, rows_per_tile, extra, 2)(
        y2, src2d, dst2d, zeros72)
    r2 = _proj(harr, W2r, b2r, acc_rows, blk, ngrid, h)

    oblk = 1000 if n % 1000 == 0 else n
    out = pl.pallas_call(
        _tc3_body,
        grid=(n // oblk,),
        in_specs=[
            pl.BlockSpec((_NC, oblk, h), lambda i: (0, i, 0)),
            pl.BlockSpec((_NC, oblk, _DW), lambda i: (0, i, 0)),
            pl.BlockSpec((oblk, h), lambda i: (i, 0)),
        ],
        out_specs=pl.BlockSpec((oblk, h), lambda i: (i, 0)),
        out_shape=jax.ShapeDtypeStruct((n, h), jnp.float32),
    )(p2, dgc, r2)

    return out

# --- scband reference (transcript-rebuilt; emitter-appended) ---
"""Pipeline reference for scband-encoder-sage-18262200942989 (READ-ONLY COPY).

The authoritative reference and input builder live on the scoring server;
editing this copy changes nothing except your own understanding.
"""

import jax, jax.numpy as jnp
import numpy as np


def sage_conv(x, edge_index, Wl, bl, Wr):
    # PyG SAGEConv with mean aggregation:
    #   out = lin_l(mean_{j in N(i)} x_j) + lin_r(x_i)
    src = edge_index[0]
    dst = edge_index[1]
    n = x.shape[0]
    msgs = jnp.take(x, src, axis=0)
    agg = jax.ops.segment_sum(msgs, dst, num_segments=n)
    deg = jax.ops.segment_sum(jnp.ones((src.shape[0],), x.dtype), dst, num_segments=n)
    agg = agg / jnp.maximum(deg, 1.0)[:, None]
    return agg @ Wl + bl + x @ Wr


def setup_inputs(seed: int = 0) -> dict:
    key = jax.random.key(seed)
    ks = jax.random.split(key, 8)
    n, d, h, e = 10000, 128, 64, 320000
    x = jax.random.normal(ks[0], (n, d), dtype=jnp.float32)
    edge_index = jax.random.randint(ks[1], (2, e), 0, n)
    s1 = 1.0 / np.sqrt(d)
    s2 = 1.0 / np.sqrt(h)
    W1l = jax.random.uniform(ks[2], (d, h), jnp.float32, -s1, s1)
    b1 = jnp.zeros((h,), jnp.float32)
    W1r = jax.random.uniform(ks[3], (d, h), jnp.float32, -s1, s1)
    W2l = jax.random.uniform(ks[4], (h, h), jnp.float32, -s2, s2)
    b2 = jnp.zeros((h,), jnp.float32)
    W2r = jax.random.uniform(ks[5], (h, h), jnp.float32, -s2, s2)
    return {"x": x, "edge_index": edge_index, "W1l": W1l, "b1": b1, "W1r": W1r,
            "W2l": W2l, "b2": b2, "W2r": W2r}


def reference(x, edge_index, W1l, b1, W1r, W2l, b2, W2r):
    h = sage_conv(x, edge_index, W1l, b1, W1r)
    h = jax.nn.relu(h)
    # dropout is identity at inference (eval mode)
    out = sage_conv(h, edge_index, W2l, b2, W2r)
    return out

if __name__ == "__main__":
    import jax
    _d = setup_inputs()
    print(jax.jit(kernel)(*tuple(_d.values())))

</pallas_src>

<mosaic_0001>
#map = affine_map<(d0, d1) -> (0, 0)>
#map1 = affine_map<(d0, d1) -> (0, 0, 0)>
module attributes {stable_mosaic.version = 14 : i64} {
  func.func @segsum(%arg0: i32, %arg1: i32, %arg2: memref<10112x72xf32, #tpu.memory_space<hbm>>, %arg3: memref<2500x128xi32, #tpu.memory_space<hbm>>, %arg4: memref<2500x128xi32, #tpu.memory_space<hbm>>, %arg5: memref<10112x72xf32, #tpu.memory_space<hbm>>, %arg6: memref<2x10112x72xf32, #tpu.memory_space<hbm>>, %arg7: memref<78x128xi32, #tpu.memory_space<vmem>>, %arg8: memref<78x128xi32, #tpu.memory_space<vmem>>, %arg9: memref<1x128xi32, #tpu.memory_space<vmem>>, %arg10: memref<1x128xi32, #tpu.memory_space<vmem>>, %arg11: memref<128x72xf32, #tpu.memory_space<vmem>>, %arg12: memref<128x72xf32, #tpu.memory_space<vmem>>, %arg13: memref<!tpu.dma_semaphore, #tpu.memory_space<semaphore_mem>>, %arg14: memref<!tpu.dma_semaphore, #tpu.memory_space<semaphore_mem>>, %arg15: memref<10112x72xf32, #tpu.memory_space<vmem_shared>>, %arg16: memref<10112x72xf32, #tpu.memory_space<vmem_shared>>) attributes {dimension_semantics = [#tpu.dimension_semantics<core_parallel>, #tpu.dimension_semantics<subcore_parallel>], iteration_bounds = array<i64: 2, 16>, scalar_prefetch = 0 : i64, scratch_operands = 10 : i64, tpu.core_type = #tpu.core_type<sc_vector_subcore>, window_params = [{transform_indices = #map}, {transform_indices = #map}, {transform_indices = #map}, {transform_indices = #map}, {transform_indices = #map1}]} {
    %mul3A = arith.constant 16 : i32
    %mul3A_0 = arith.muli %arg0, %mul3A : i32
    %add3A = arith.addi %mul3A_0, %arg1 : i32
    %mul3A_1 = arith.constant 632 : i32
    %mul3A_2 = arith.muli %arg1, %mul3A_1 : i32
    %mul3A_3 = arith.constant 78 : i32
    %mul3A_4 = arith.muli %add3A, %mul3A_3 : i32
    %dma_start3A = arith.constant 0 : i32
    %dma_start3A_5 = tpu.memref_slice %arg15[%mul3A_2, %dma_start3A] : memref<10112x72xf32, #tpu.memory_space<vmem_shared>> -> memref<632x72xf32, #tpu.memory_space<vmem_shared>>
    %dma_start3A_6 = arith.constant 0 : i32
    %dma_start3A_7 = tpu.memref_slice %arg2[%mul3A_2, %dma_start3A_6] : memref<10112x72xf32, #tpu.memory_space<hbm>> -> memref<632x72xf32, #tpu.memory_space<hbm>>
    tpu.enqueue_dma source(%dma_start3A_7 : memref<632x72xf32, #tpu.memory_space<hbm>>) target(%dma_start3A_5 : memref<632x72xf32, #tpu.memory_space<vmem_shared>>) target_semaphore(%arg13 : memref<!tpu.dma_semaphore, #tpu.memory_space<semaphore_mem>>)
    %dma_start3A_8 = arith.constant 0 : i32
    %dma_start3A_9 = tpu.memref_slice %arg16[%mul3A_2, %dma_start3A_8] : memref<10112x72xf32, #tpu.memory_space<vmem_shared>> -> memref<632x72xf32, #tpu.memory_space<vmem_shared>>
    %dma_start3A_10 = arith.constant 0 : i32
    %dma_start3A_11 = tpu.memref_slice %arg5[%mul3A_2, %dma_start3A_10] : memref<10112x72xf32, #tpu.memory_space<hbm>> -> memref<632x72xf32, #tpu.memory_space<hbm>>
    tpu.enqueue_dma source(%dma_start3A_11 : memref<632x72xf32, #tpu.memory_space<hbm>>) target(%dma_start3A_9 : memref<632x72xf32, #tpu.memory_space<vmem_shared>>) target_semaphore(%arg13 : memref<!tpu.dma_semaphore, #tpu.memory_space<semaphore_mem>>)
    %dma_start3A_12 = arith.constant 0 : i32
    %dma_start3A_13 = tpu.memref_slice %arg3[%mul3A_4, %dma_start3A_12] : memref<2500x128xi32, #tpu.memory_space<hbm>> -> memref<78x128xi32, #tpu.memory_space<hbm>>
    %dma_start3A_14 = arith.constant 0 : i32
    %dma_start3A_15 = tpu.memref_slice %arg3[%mul3A_4, %dma_start3A_14] : memref<2500x128xi32, #tpu.memory_space<hbm>> -> memref<78x128xi32, #tpu.memory_space<hbm>>
    tpu.enqueue_dma source(%dma_start3A_15 : memref<78x128xi32, #tpu.memory_space<hbm>>) target(%arg7 : memref<78x128xi32, #tpu.memory_space<vmem>>) target_semaphore(%arg13 : memref<!tpu.dma_semaphore, #tpu.memory_space<semaphore_mem>>)
    %dma_start3A_16 = arith.constant 0 : i32
    %dma_start3A_17 = tpu.memref_slice %arg4[%mul3A_4, %dma_start3A_16] : memref<2500x128xi32, #tpu.memory_space<hbm>> -> memref<78x128xi32, #tpu.memory_space<hbm>>
    %dma_start3A_18 = arith.constant 0 : i32
    %dma_start3A_19 = tpu.memref_slice %arg4[%mul3A_4, %dma_start3A_18] : memref<2500x128xi32, #tpu.memory_space<hbm>> -> memref<78x128xi32, #tpu.memory_space<hbm>>
    tpu.enqueue_dma source(%dma_start3A_19 : memref<78x128xi32, #tpu.memory_space<hbm>>) target(%arg8 : memref<78x128xi32, #tpu.memory_space<vmem>>) target_semaphore(%arg13 : memref<!tpu.dma_semaphore, #tpu.memory_space<semaphore_mem>>)
    %dma_wait3A = arith.constant 0 : i32
    %dma_wait3A_20 = tpu.memref_slice %arg15[%mul3A_2, %dma_wait3A] : memref<10112x72xf32, #tpu.memory_space<vmem_shared>> -> memref<632x72xf32, #tpu.memory_space<vmem_shared>>
    %dma_wait3A_21 = arith.constant 0 : i32
    %dma_wait3A_22 = tpu.memref_slice %arg2[%mul3A_2, %dma_wait3A_21] : memref<10112x72xf32, #tpu.memory_space<hbm>> -> memref<632x72xf32, #tpu.memory_space<hbm>>
    tpu.wait_dma2 semaphore(%arg13 : memref<!tpu.dma_semaphore, #tpu.memory_space<semaphore_mem>>) src(%dma_wait3A_22 : memref<632x72xf32, #tpu.memory_space<hbm>>) dst(%dma_wait3A_20 : memref<632x72xf32, #tpu.memory_space<vmem_shared>>)
    %dma_wait3A_23 = arith.constant 0 : i32
    %dma_wait3A_24 = tpu.memref_slice %arg16[%mul3A_2, %dma_wait3A_23] : memref<10112x72xf32, #tpu.memory_space<vmem_shared>> -> memref<632x72xf32, #tpu.memory_space<vmem_shared>>
    %dma_wait3A_25 = arith.constant 0 : i32
    %dma_wait3A_26 = tpu.memref_slice %arg5[%mul3A_2, %dma_wait3A_25] : memref<10112x72xf32, #tpu.memory_space<hbm>> -> memref<632x72xf32, #tpu.memory_space<hbm>>
    tpu.wait_dma2 semaphore(%arg13 : memref<!tpu.dma_semaphore, #tpu.memory_space<semaphore_mem>>) src(%dma_wait3A_26 : memref<632x72xf32, #tpu.memory_space<hbm>>) dst(%dma_wait3A_24 : memref<632x72xf32, #tpu.memory_space<vmem_shared>>)
    %dma_wait3A_27 = arith.constant 0 : i32
    %dma_wait3A_28 = tpu.memref_slice %arg3[%mul3A_4, %dma_wait3A_27] : memref<2500x128xi32, #tpu.memory_space<hbm>> -> memref<78x128xi32, #tpu.memory_space<hbm>>
    %dma_wait3A_29 = arith.constant 0 : i32
    %dma_wait3A_30 = tpu.memref_slice %arg3[%mul3A_4, %dma_wait3A_29] : memref<2500x128xi32, #tpu.memory_space<hbm>> -> memref<78x128xi32, #tpu.memory_space<hbm>>
    tpu.wait_dma2 semaphore(%arg13 : memref<!tpu.dma_semaphore, #tpu.memory_space<semaphore_mem>>) src(%dma_wait3A_30 : memref<78x128xi32, #tpu.memory_space<hbm>>) dst(%arg7 : memref<78x128xi32, #tpu.memory_space<vmem>>)
    %dma_wait3A_31 = arith.constant 0 : i32
    %dma_wait3A_32 = tpu.memref_slice %arg4[%mul3A_4, %dma_wait3A_31] : memref<2500x128xi32, #tpu.memory_space<hbm>> -> memref<78x128xi32, #tpu.memory_space<hbm>>
    %dma_wait3A_33 = arith.constant 0 : i32
    %dma_wait3A_34 = tpu.memref_slice %arg4[%mul3A_4, %dma_wait3A_33] : memref<2500x128xi32, #tpu.memory_space<hbm>> -> memref<78x128xi32, #tpu.memory_space<hbm>>
    tpu.wait_dma2 semaphore(%arg13 : memref<!tpu.dma_semaphore, #tpu.memory_space<semaphore_mem>>) src(%dma_wait3A_34 : memref<78x128xi32, #tpu.memory_space<hbm>>) dst(%arg8 : memref<78x128xi32, #tpu.memory_space<vmem>>)
    %lt3A = arith.constant 4 : i32
    %lt3A_35 = arith.cmpi slt, %add3A, %lt3A : i32
    %convert_element_type3A = arith.extui %lt3A_35 : i1 to i32
    %cond3A = arith.constant 0 : i32
    %cond3A_36 = arith.cmpi ne, %convert_element_type3A, %cond3A : i32
    scf.if %cond3A_36 {
      %add3A_86 = arith.constant 2496 : i32
      %add3A_87 = arith.addi %add3A_86, %add3A : i32
      %dma_start3A_88 = arith.constant 0 : i32
      %dma_start3A_89 = tpu.memref_slice %arg3[%add3A_87, %dma_start3A_88] : memref<2500x128xi32, #tpu.memory_space<hbm>> -> memref<1x128xi32, #tpu.memory_space<hbm>>
      %dma_start3A_90 = arith.constant 0 : i32
      %dma_start3A_91 = tpu.memref_slice %arg3[%add3A_87, %dma_start3A_90] : memref<2500x128xi32, #tpu.memory_space<hbm>> -> memref<1x128xi32, #tpu.memory_space<hbm>>
      tpu.enqueue_dma source(%dma_start3A_91 : memref<1x128xi32, #tpu.memory_space<hbm>>) target(%arg9 : memref<1x128xi32, #tpu.memory_space<vmem>>) target_semaphore(%arg13 : memref<!tpu.dma_semaphore, #tpu.memory_space<semaphore_mem>>)
      %dma_start3A_92 = arith.constant 0 : i32
      %dma_start3A_93 = tpu.memref_slice %arg4[%add3A_87, %dma_start3A_92] : memref<2500x128xi32, #tpu.memory_space<hbm>> -> memref<1x128xi32, #tpu.memory_space<hbm>>
      %dma_start3A_94 = arith.constant 0 : i32
      %dma_start3A_95 = tpu.memref_slice %arg4[%add3A_87, %dma_start3A_94] : memref<2500x128xi32, #tpu.memory_space<hbm>> -> memref<1x128xi32, #tpu.memory_space<hbm>>
      tpu.enqueue_dma source(%dma_start3A_95 : memref<1x128xi32, #tpu.memory_space<hbm>>) target(%arg10 : memref<1x128xi32, #tpu.memory_space<vmem>>) target_semaphore(%arg13 : memref<!tpu.dma_semaphore, #tpu.memory_space<semaphore_mem>>)
      %dma_wait3A_96 = arith.constant 0 : i32
      %dma_wait3A_97 = tpu.memref_slice %arg3[%add3A_87, %dma_wait3A_96] : memref<2500x128xi32, #tpu.memory_space<hbm>> -> memref<1x128xi32, #tpu.memory_space<hbm>>
      %dma_wait3A_98 = arith.constant 0 : i32
      %dma_wait3A_99 = tpu.memref_slice %arg3[%add3A_87, %dma_wait3A_98] : memref<2500x128xi32, #tpu.memory_space<hbm>> -> memref<1x128xi32, #tpu.memory_space<hbm>>
      tpu.wait_dma2 semaphore(%arg13 : memref<!tpu.dma_semaphore, #tpu.memory_space<semaphore_mem>>) src(%dma_wait3A_99 : memref<1x128xi32, #tpu.memory_space<hbm>>) dst(%arg9 : memref<1x128xi32, #tpu.memory_space<vmem>>)
      %dma_wait3A_100 = arith.constant 0 : i32
      %dma_wait3A_101 = tpu.memref_slice %arg4[%add3A_87, %dma_wait3A_100] : memref<2500x128xi32, #tpu.memory_space<hbm>> -> memref<1x128xi32, #tpu.memory_space<hbm>>
      %dma_wait3A_102 = arith.constant 0 : i32
      %dma_wait3A_103 = tpu.memref_slice %arg4[%add3A_87, %dma_wait3A_102] : memref<2500x128xi32, #tpu.memory_space<hbm>> -> memref<1x128xi32, #tpu.memory_space<hbm>>
      tpu.wait_dma2 semaphore(%arg13 : memref<!tpu.dma_semaphore, #tpu.memory_space<semaphore_mem>>) src(%dma_wait3A_103 : memref<1x128xi32, #tpu.memory_space<hbm>>) dst(%arg10 : memref<1x128xi32, #tpu.memory_space<vmem>>)
    } else {
    }
    %barrier3A = arith.constant 0 : index
    tpu.barrier barrier_id(%barrier3A)
    %dma_start3A_37 = arith.constant 0 : i32
    %dma_start3A_38 = arith.constant 0 : i32
    %dma_start3A_39 = tpu.memref_slice %arg7[%dma_start3A_37, %dma_start3A_38] : memref<78x128xi32, #tpu.memory_space<vmem>> -> memref<1x128xi32, #tpu.memory_space<vmem>>
    %dma_start3A_40 = tpu.memref_squeeze %dma_start3A_39 : memref<1x128xi32, #tpu.memory_space<vmem>> -> memref<128xi32, #tpu.memory_space<vmem>>
    %dma_start3A_41 = arith.constant 0 : i32
    %dma_start3A_42 = arith.constant 0 : i32
    %dma_start3A_43 = tpu.memref_slice %arg15[%dma_start3A_41, %dma_start3A_42] : memref<10112x72xf32, #tpu.memory_space<vmem_shared>> -> memref<10112x72xf32, #tpu.memory_space<vmem_shared>>
    tpu.enqueue_indirect_dma source(%dma_start3A_43 : memref<10112x72xf32, #tpu.memory_space<vmem_shared>>) target(%arg11 : memref<128x72xf32, #tpu.memory_space<vmem>>) offsets(%dma_start3A_40 : memref<128xi32, #tpu.memory_space<vmem>>) semaphore(%arg13 : memref<!tpu.dma_semaphore, #tpu.memory_space<semaphore_mem>>)
    %dma_start3A_44 = arith.constant 1 : i32
    %dma_start3A_45 = arith.constant 0 : i32
    %dma_start3A_46 = tpu.memref_slice %arg7[%dma_start3A_44, %dma_start3A_45] : memref<78x128xi32, #tpu.memory_space<vmem>> -> memref<1x128xi32, #tpu.memory_space<vmem>>
    %dma_start3A_47 = tpu.memref_squeeze %dma_start3A_46 : memref<1x128xi32, #tpu.memory_space<vmem>> -> memref<128xi32, #tpu.memory_space<vmem>>
    %dma_start3A_48 = arith.constant 0 : i32
    %dma_start3A_49 = arith.constant 0 : i32
    %dma_start3A_50 = tpu.memref_slice %arg15[%dma_start3A_48, %dma_start3A_49] : memref<10112x72xf32, #tpu.memory_space<vmem_shared>> -> memref<10112x72xf32, #tpu.memory_space<vmem_shared>>
    tpu.enqueue_indirect_dma source(%dma_start3A_50 : memref<10112x72xf32, #tpu.memory_space<vmem_shared>>) target(%arg12 : memref<128x72xf32, #tpu.memory_space<vmem>>) offsets(%dma_start3A_47 : memref<128xi32, #tpu.memory_space<vmem>>) semaphore(%arg14 : memref<!tpu.dma_semaphore, #tpu.memory_space<semaphore_mem>>)
    %scan3A = arith.constant 0 : i32
    %scan3A_51 = arith.constant 0 : i32
    %scan3A_52 = arith.constant 39 : i32
    %scan3A_53 = arith.addi %scan3A_51, %scan3A_52 : i32
    %scan3A_54 = arith.constant 1 : i32
    scf.for %scan3A_86 = %scan3A_51 to %scan3A_53 step %scan3A_54  : i32 {
      %mul3A_87 = arith.constant 2 : i32
      %mul3A_88 = arith.muli %scan3A_86, %mul3A_87 : i32
      %add3A_89 = arith.constant 0 : i32
      %add3A_90 = arith.addi %mul3A_88, %add3A_89 : i32
      %dma_wait3A_91 = arith.constant 0 : i32
      %dma_wait3A_92 = tpu.memref_slice %arg7[%add3A_90, %dma_wait3A_91] : memref<78x128xi32, #tpu.memory_space<vmem>> -> memref<1x128xi32, #tpu.memory_space<vmem>>
      %dma_wait3A_93 = tpu.memref_squeeze %dma_wait3A_92 : memref<1x128xi32, #tpu.memory_space<vmem>> -> memref<128xi32, #tpu.memory_space<vmem>>
      %dma_wait3A_94 = arith.constant 0 : i32
      %dma_wait3A_95 = arith.constant 0 : i32
      %dma_wait3A_96 = tpu.memref_slice %arg15[%dma_wait3A_94, %dma_wait3A_95] : memref<10112x72xf32, #tpu.memory_space<vmem_shared>> -> memref<10112x72xf32, #tpu.memory_space<vmem_shared>>
      tpu.wait_indirect_dma semaphore(%arg13 : memref<!tpu.dma_semaphore, #tpu.memory_space<semaphore_mem>>) src(%dma_wait3A_96 : memref<10112x72xf32, #tpu.memory_space<vmem_shared>>) dst(%arg11 : memref<128x72xf32, #tpu.memory_space<vmem>>)
      "tpu.region"() ({
        %run_scoped3A = tpu.sem_alloc : memref<!tpu.dma_semaphore, #tpu.memory_space<semaphore_mem>>
        %dma_start3A_126 = arith.constant 0 : i32
        %dma_start3A_127 = tpu.memref_slice %arg8[%add3A_90, %dma_start3A_126] : memref<78x128xi32, #tpu.memory_space<vmem>> -> memref<1x128xi32, #tpu.memory_space<vmem>>
        %dma_start3A_128 = tpu.memref_squeeze %dma_start3A_127 : memref<1x128xi32, #tpu.memory_space<vmem>> -> memref<128xi32, #tpu.memory_space<vmem>>
        %dma_start3A_129 = arith.constant 0 : i32
        %dma_start3A_130 = arith.constant 0 : i32
        %dma_start3A_131 = tpu.memref_slice %arg16[%dma_start3A_129, %dma_start3A_130] : memref<10112x72xf32, #tpu.memory_space<vmem_shared>> -> memref<10112x72xf32, #tpu.memory_space<vmem_shared>>
        tpu.enqueue_indirect_dma source(%arg11 : memref<128x72xf32, #tpu.memory_space<vmem>>) target(%dma_start3A_131 : memref<10112x72xf32, #tpu.memory_space<vmem_shared>>) offsets(%dma_start3A_128 : memref<128xi32, #tpu.memory_space<vmem>>) semaphore(%run_scoped3A : memref<!tpu.dma_semaphore, #tpu.memory_space<semaphore_mem>>) {add = true}
        %dma_wait3A_132 = arith.constant 0 : i32
        %dma_wait3A_133 = tpu.memref_slice %arg8[%add3A_90, %dma_wait3A_132] : memref<78x128xi32, #tpu.memory_space<vmem>> -> memref<1x128xi32, #tpu.memory_space<vmem>>
        %dma_wait3A_134 = tpu.memref_squeeze %dma_wait3A_133 : memref<1x128xi32, #tpu.memory_space<vmem>> -> memref<128xi32, #tpu.memory_space<vmem>>
        %dma_wait3A_135 = arith.constant 0 : i32
        %dma_wait3A_136 = arith.constant 0 : i32
        %dma_wait3A_137 = tpu.memref_slice %arg16[%dma_wait3A_135, %dma_wait3A_136] : memref<10112x72xf32, #tpu.memory_space<vmem_shared>> -> memref<10112x72xf32, #tpu.memory_space<vmem_shared>>
        tpu.wait_indirect_dma semaphore(%run_scoped3A : memref<!tpu.dma_semaphore, #tpu.memory_space<semaphore_mem>>) src(%arg11 : memref<128x72xf32, #tpu.memory_space<vmem>>) dst(%dma_wait3A_137 : memref<10112x72xf32, #tpu.memory_space<vmem_shared>>)
        tpu.yield
      }) : () -> ()
      %add3A_97 = arith.constant 2 : i32
      %add3A_98 = arith.addi %add3A_90, %add3A_97 : i32
      %min3A = arith.constant 77 : i32
      %min3A_99 = arith.minsi %add3A_98, %min3A : i32
      %dma_start3A_100 = arith.constant 0 : i32
      %dma_start3A_101 = tpu.memref_slice %arg7[%min3A_99, %dma_start3A_100] : memref<78x128xi32, #tpu.memory_space<vmem>> -> memref<1x128xi32, #tpu.memory_space<vmem>>
      %dma_start3A_102 = tpu.memref_squeeze %dma_start3A_101 : memref<1x128xi32, #tpu.memory_space<vmem>> -> memref<128xi32, #tpu.memory_space<vmem>>
      %dma_start3A_103 = arith.constant 0 : i32
      %dma_start3A_104 = arith.constant 0 : i32
      %dma_start3A_105 = tpu.memref_slice %arg15[%dma_start3A_103, %dma_start3A_104] : memref<10112x72xf32, #tpu.memory_space<vmem_shared>> -> memref<10112x72xf32, #tpu.memory_space<vmem_shared>>
      tpu.enqueue_indirect_dma source(%dma_start3A_105 : memref<10112x72xf32, #tpu.memory_space<vmem_shared>>) target(%arg11 : memref<128x72xf32, #tpu.memory_space<vmem>>) offsets(%dma_start3A_102 : memref<128xi32, #tpu.memory_space<vmem>>) semaphore(%arg13 : memref<!tpu.dma_semaphore, #tpu.memory_space<semaphore_mem>>)
      %mul3A_106 = arith.constant 2 : i32
      %mul3A_107 = arith.muli %scan3A_86, %mul3A_106 : i32
      %add3A_108 = arith.constant 1 : i32
      %add3A_109 = arith.addi %mul3A_107, %add3A_108 : i32
      %dma_wait3A_110 = arith.constant 0 : i32
      %dma_wait3A_111 = tpu.memref_slice %arg7[%add3A_109, %dma_wait3A_110] : memref<78x128xi32, #tpu.memory_space<vmem>> -> memref<1x128xi32, #tpu.memory_space<vmem>>
      %dma_wait3A_112 = tpu.memref_squeeze %dma_wait3A_111 : memref<1x128xi32, #tpu.memory_space<vmem>> -> memref<128xi32, #tpu.memory_space<vmem>>
      %dma_wait3A_113 = arith.constant 0 : i32
      %dma_wait3A_114 = arith.constant 0 : i32
      %dma_wait3A_115 = tpu.memref_slice %arg15[%dma_wait3A_113, %dma_wait3A_114] : memref<10112x72xf32, #tpu.memory_space<vmem_shared>> -> memref<10112x72xf32, #tpu.memory_space<vmem_shared>>
      tpu.wait_indirect_dma semaphore(%arg14 : memref<!tpu.dma_semaphore, #tpu.memory_space<semaphore_mem>>) src(%dma_wait3A_115 : memref<10112x72xf32, #tpu.memory_space<vmem_shared>>) dst(%arg12 : memref<128x72xf32, #tpu.memory_space<vmem>>)
      "tpu.region"() ({
        %run_scoped3A = tpu.sem_alloc : memref<!tpu.dma_semaphore, #tpu.memory_space<semaphore_mem>>
        %dma_start3A_126 = arith.constant 0 : i32
        %dma_start3A_127 = tpu.memref_slice %arg8[%add3A_109, %dma_start3A_126] : memref<78x128xi32, #tpu.memory_space<vmem>> -> memref<1x128xi32, #tpu.memory_space<vmem>>
        %dma_start3A_128 = tpu.memref_squeeze %dma_start3A_127 : memref<1x128xi32, #tpu.memory_space<vmem>> -> memref<128xi32, #tpu.memory_space<vmem>>
        %dma_start3A_129 = arith.constant 0 : i32
        %dma_start3A_130 = arith.constant 0 : i32
        %dma_start3A_131 = tpu.memref_slice %arg16[%dma_start3A_129, %dma_start3A_130] : memref<10112x72xf32, #tpu.memory_space<vmem_shared>> -> memref<10112x72xf32, #tpu.memory_space<vmem_shared>>
        tpu.enqueue_indirect_dma source(%arg12 : memref<128x72xf32, #tpu.memory_space<vmem>>) target(%dma_start3A_131 : memref<10112x72xf32, #tpu.memory_space<vmem_shared>>) offsets(%dma_start3A_128 : memref<128xi32, #tpu.memory_space<vmem>>) semaphore(%run_scoped3A : memref<!tpu.dma_semaphore, #tpu.memory_space<semaphore_mem>>) {add = true}
        %dma_wait3A_132 = arith.constant 0 : i32
        %dma_wait3A_133 = tpu.memref_slice %arg8[%add3A_109, %dma_wait3A_132] : memref<78x128xi32, #tpu.memory_space<vmem>> -> memref<1x128xi32, #tpu.memory_space<vmem>>
        %dma_wait3A_134 = tpu.memref_squeeze %dma_wait3A_133 : memref<1x128xi32, #tpu.memory_space<vmem>> -> memref<128xi32, #tpu.memory_space<vmem>>
        %dma_wait3A_135 = arith.constant 0 : i32
        %dma_wait3A_136 = arith.constant 0 : i32
        %dma_wait3A_137 = tpu.memref_slice %arg16[%dma_wait3A_135, %dma_wait3A_136] : memref<10112x72xf32, #tpu.memory_space<vmem_shared>> -> memref<10112x72xf32, #tpu.memory_space<vmem_shared>>
        tpu.wait_indirect_dma semaphore(%run_scoped3A : memref<!tpu.dma_semaphore, #tpu.memory_space<semaphore_mem>>) src(%arg12 : memref<128x72xf32, #tpu.memory_space<vmem>>) dst(%dma_wait3A_137 : memref<10112x72xf32, #tpu.memory_space<vmem_shared>>)
        tpu.yield
      }) : () -> ()
      %add3A_116 = arith.constant 2 : i32
      %add3A_117 = arith.addi %add3A_109, %add3A_116 : i32
      %min3A_118 = arith.constant 77 : i32
      %min3A_119 = arith.minsi %add3A_117, %min3A_118 : i32
      %dma_start3A_120 = arith.constant 0 : i32
      %dma_start3A_121 = tpu.memref_slice %arg7[%min3A_119, %dma_start3A_120] : memref<78x128xi32, #tpu.memory_space<vmem>> -> memref<1x128xi32, #tpu.memory_space<vmem>>
      %dma_start3A_122 = tpu.memref_squeeze %dma_start3A_121 : memref<1x128xi32, #tpu.memory_space<vmem>> -> memref<128xi32, #tpu.memory_space<vmem>>
      %dma_start3A_123 = arith.constant 0 : i32
      %dma_start3A_124 = arith.constant 0 : i32
      %dma_start3A_125 = tpu.memref_slice %arg15[%dma_start3A_123, %dma_start3A_124] : memref<10112x72xf32, #tpu.memory_space<vmem_shared>> -> memref<10112x72xf32, #tpu.memory_space<vmem_shared>>
      tpu.enqueue_indirect_dma source(%dma_start3A_125 : memref<10112x72xf32, #tpu.memory_space<vmem_shared>>) target(%arg12 : memref<128x72xf32, #tpu.memory_space<vmem>>) offsets(%dma_start3A_122 : memref<128xi32, #tpu.memory_space<vmem>>) semaphore(%arg14 : memref<!tpu.dma_semaphore, #tpu.memory_space<semaphore_mem>>)
    }
    %scan3A_55 = arith.constant 39 : i32
    %dma_wait3A_56 = arith.constant 77 : i32
    %dma_wait3A_57 = arith.constant 0 : i32
    %dma_wait3A_58 = tpu.memref_slice %arg7[%dma_wait3A_56, %dma_wait3A_57] : memref<78x128xi32, #tpu.memory_space<vmem>> -> memref<1x128xi32, #tpu.memory_space<vmem>>
    %dma_wait3A_59 = tpu.memref_squeeze %dma_wait3A_58 : memref<1x128xi32, #tpu.memory_space<vmem>> -> memref<128xi32, #tpu.memory_space<vmem>>
    %dma_wait3A_60 = arith.constant 0 : i32
    %dma_wait3A_61 = arith.constant 0 : i32
    %dma_wait3A_62 = tpu.memref_slice %arg15[%dma_wait3A_60, %dma_wait3A_61] : memref<10112x72xf32, #tpu.memory_space<vmem_shared>> -> memref<10112x72xf32, #tpu.memory_space<vmem_shared>>
    tpu.wait_indirect_dma semaphore(%arg13 : memref<!tpu.dma_semaphore, #tpu.memory_space<semaphore_mem>>) src(%dma_wait3A_62 : memref<10112x72xf32, #tpu.memory_space<vmem_shared>>) dst(%arg11 : memref<128x72xf32, #tpu.memory_space<vmem>>)
    %dma_wait3A_63 = arith.constant 77 : i32
    %dma_wait3A_64 = arith.constant 0 : i32
    %dma_wait3A_65 = tpu.memref_slice %arg7[%dma_wait3A_63, %dma_wait3A_64] : memref<78x128xi32, #tpu.memory_space<vmem>> -> memref<1x128xi32, #tpu.memory_space<vmem>>
    %dma_wait3A_66 = tpu.memref_squeeze %dma_wait3A_65 : memref<1x128xi32, #tpu.memory_space<vmem>> -> memref<128xi32, #tpu.memory_space<vmem>>
    %dma_wait3A_67 = arith.constant 0 : i32
    %dma_wait3A_68 = arith.constant 0 : i32
    %dma_wait3A_69 = tpu.memref_slice %arg15[%dma_wait3A_67, %dma_wait3A_68] : memref<10112x72xf32, #tpu.memory_space<vmem_shared>> -> memref<10112x72xf32, #tpu.memory_space<vmem_shared>>
    tpu.wait_indirect_dma semaphore(%arg14 : memref<!tpu.dma_semaphore, #tpu.memory_space<semaphore_mem>>) src(%dma_wait3A_69 : memref<10112x72xf32, #tpu.memory_space<vmem_shared>>) dst(%arg12 : memref<128x72xf32, #tpu.memory_space<vmem>>)
    %lt3A_70 = arith.constant 4 : i32
    %lt3A_71 = arith.cmpi slt, %add3A, %lt3A_70 : i32
    %convert_element_type3A_72 = arith.extui %lt3A_71 : i1 to i32
    %cond3A_73 = arith.constant 0 : i32
    %cond3A_74 = arith.cmpi ne, %convert_element_type3A_72, %cond3A_73 : i32
    scf.if %cond3A_74 {
      %dma_start3A_86 = arith.constant 0 : i32
      %dma_start3A_87 = arith.constant 0 : i32
      %dma_start3A_88 = tpu.memref_slice %arg9[%dma_start3A_86, %dma_start3A_87] : memref<1x128xi32, #tpu.memory_space<vmem>> -> memref<1x128xi32, #tpu.memory_space<vmem>>
      %dma_start3A_89 = tpu.memref_squeeze %dma_start3A_88 : memref<1x128xi32, #tpu.memory_space<vmem>> -> memref<128xi32, #tpu.memory_space<vmem>>
      %dma_start3A_90 = arith.constant 0 : i32
      %dma_start3A_91 = arith.constant 0 : i32
      %dma_start3A_92 = tpu.memref_slice %arg15[%dma_start3A_90, %dma_start3A_91] : memref<10112x72xf32, #tpu.memory_space<vmem_shared>> -> memref<10112x72xf32, #tpu.memory_space<vmem_shared>>
      tpu.enqueue_indirect_dma source(%dma_start3A_92 : memref<10112x72xf32, #tpu.memory_space<vmem_shared>>) target(%arg11 : memref<128x72xf32, #tpu.memory_space<vmem>>) offsets(%dma_start3A_89 : memref<128xi32, #tpu.memory_space<vmem>>) semaphore(%arg13 : memref<!tpu.dma_semaphore, #tpu.memory_space<semaphore_mem>>)
      %dma_wait3A_93 = arith.constant 0 : i32
      %dma_wait3A_94 = arith.constant 0 : i32
      %dma_wait3A_95 = tpu.memref_slice %arg9[%dma_wait3A_93, %dma_wait3A_94] : memref<1x128xi32, #tpu.memory_space<vmem>> -> memref<1x128xi32, #tpu.memory_space<vmem>>
      %dma_wait3A_96 = tpu.memref_squeeze %dma_wait3A_95 : memref<1x128xi32, #tpu.memory_space<vmem>> -> memref<128xi32, #tpu.memory_space<vmem>>
      %dma_wait3A_97 = arith.constant 0 : i32
      %dma_wait3A_98 = arith.constant 0 : i32
      %dma_wait3A_99 = tpu.memref_slice %arg15[%dma_wait3A_97, %dma_wait3A_98] : memref<10112x72xf32, #tpu.memory_space<vmem_shared>> -> memref<10112x72xf32, #tpu.memory_space<vmem_shared>>
      tpu.wait_indirect_dma semaphore(%arg13 : memref<!tpu.dma_semaphore, #tpu.memory_space<semaphore_mem>>) src(%dma_wait3A_99 : memref<10112x72xf32, #tpu.memory_space<vmem_shared>>) dst(%arg11 : memref<128x72xf32, #tpu.memory_space<vmem>>)
      %run_scoped3A = arith.constant 0 : i32
      "tpu.region"() ({
        %run_scoped3A_100 = tpu.sem_alloc : memref<!tpu.dma_semaphore, #tpu.memory_space<semaphore_mem>>
        %dma_start3A_101 = arith.constant 0 : i32
        %dma_start3A_102 = tpu.memref_slice %arg10[%run_scoped3A, %dma_start3A_101] : memref<1x128xi32, #tpu.memory_space<vmem>> -> memref<1x128xi32, #tpu.memory_space<vmem>>
        %dma_start3A_103 = tpu.memref_squeeze %dma_start3A_102 : memref<1x128xi32, #tpu.memory_space<vmem>> -> memref<128xi32, #tpu.memory_space<vmem>>
        %dma_start3A_104 = arith.constant 0 : i32
        %dma_start3A_105 = arith.constant 0 : i32
        %dma_start3A_106 = tpu.memref_slice %arg16[%dma_start3A_104, %dma_start3A_105] : memref<10112x72xf32, #tpu.memory_space<vmem_shared>> -> memref<10112x72xf32, #tpu.memory_space<vmem_shared>>
        tpu.enqueue_indirect_dma source(%arg11 : memref<128x72xf32, #tpu.memory_space<vmem>>) target(%dma_start3A_106 : memref<10112x72xf32, #tpu.memory_space<vmem_shared>>) offsets(%dma_start3A_103 : memref<128xi32, #tpu.memory_space<vmem>>) semaphore(%run_scoped3A_100 : memref<!tpu.dma_semaphore, #tpu.memory_space<semaphore_mem>>) {add = true}
        %dma_wait3A_107 = arith.constant 0 : i32
        %dma_wait3A_108 = tpu.memref_slice %arg10[%run_scoped3A, %dma_wait3A_107] : memref<1x128xi32, #tpu.memory_space<vmem>> -> memref<1x128xi32, #tpu.memory_space<vmem>>
        %dma_wait3A_109 = tpu.memref_squeeze %dma_wait3A_108 : memref<1x128xi32, #tpu.memory_space<vmem>> -> memref<128xi32, #tpu.memory_space<vmem>>
        %dma_wait3A_110 = arith.constant 0 : i32
        %dma_wait3A_111 = arith.constant 0 : i32
        %dma_wait3A_112 = tpu.memref_slice %arg16[%dma_wait3A_110, %dma_wait3A_111] : memref<10112x72xf32, #tpu.memory_space<vmem_shared>> -> memref<10112x72xf32, #tpu.memory_space<vmem_shared>>
        tpu.wait_indirect_dma semaphore(%run_scoped3A_100 : memref<!tpu.dma_semaphore, #tpu.memory_space<semaphore_mem>>) src(%arg11 : memref<128x72xf32, #tpu.memory_space<vmem>>) dst(%dma_wait3A_112 : memref<10112x72xf32, #tpu.memory_space<vmem_shared>>)
        tpu.yield
      }) : () -> ()
    } else {
    }
    %barrier3A_75 = arith.constant 0 : index
    tpu.barrier barrier_id(%barrier3A_75)
    %dma_start3A_76 = arith.constant 0 : i32
    %dma_start3A_77 = tpu.memref_slice %arg6[%arg0, %mul3A_2, %dma_start3A_76] : memref<2x10112x72xf32, #tpu.memory_space<hbm>> -> memref<1x632x72xf32, #tpu.memory_space<hbm>>
    %dma_start3A_78 = tpu.memref_squeeze %dma_start3A_77 : memref<1x632x72xf32, #tpu.memory_space<hbm>> -> memref<632x72xf32, #tpu.memory_space<hbm>>
    %dma_start3A_79 = arith.constant 0 : i32
    %dma_start3A_80 = tpu.memref_slice %arg16[%mul3A_2, %dma_start3A_79] : memref<10112x72xf32, #tpu.memory_space<vmem_shared>> -> memref<632x72xf32, #tpu.memory_space<vmem_shared>>
    tpu.enqueue_dma source(%dma_start3A_80 : memref<632x72xf32, #tpu.memory_space<vmem_shared>>) target(%dma_start3A_78 : memref<632x72xf32, #tpu.memory_space<hbm>>) target_semaphore(%arg13 : memref<!tpu.dma_semaphore, #tpu.memory_space<semaphore_mem>>)
    %dma_wait3A_81 = arith.constant 0 : i32
    %dma_wait3A_82 = tpu.memref_slice %arg6[%arg0, %mul3A_2, %dma_wait3A_81] : memref<2x10112x72xf32, #tpu.memory_space<hbm>> -> memref<1x632x72xf32, #tpu.memory_space<hbm>>
    %dma_wait3A_83 = tpu.memref_squeeze %dma_wait3A_82 : memref<1x632x72xf32, #tpu.memory_space<hbm>> -> memref<632x72xf32, #tpu.memory_space<hbm>>
    %dma_wait3A_84 = arith.constant 0 : i32
    %dma_wait3A_85 = tpu.memref_slice %arg16[%mul3A_2, %dma_wait3A_84] : memref<10112x72xf32, #tpu.memory_space<vmem_shared>> -> memref<632x72xf32, #tpu.memory_space<vmem_shared>>
    tpu.wait_dma2 semaphore(%arg13 : memref<!tpu.dma_semaphore, #tpu.memory_space<semaphore_mem>>) src(%dma_wait3A_85 : memref<632x72xf32, #tpu.memory_space<vmem_shared>>) dst(%dma_wait3A_83 : memref<632x72xf32, #tpu.memory_space<hbm>>)
    return
  }
}

#map = affine_map<(d0, d1) -> (0, 0)>
#map1 = affine_map<(d0, d1) -> (0, 0, 0)>
module attributes {stable_mosaic.version = 14 : i64} {
  func.func @segsum(%arg0: i32, %arg1: i32, %arg2: memref<10112x64xf32, #tpu.memory_space<hbm>>, %arg3: memref<2500x128xi32, #tpu.memory_space<hbm>>, %arg4: memref<2500x128xi32, #tpu.memory_space<hbm>>, %arg5: memref<10112x72xf32, #tpu.memory_space<hbm>>, %arg6: memref<2x10112x64xf32, #tpu.memory_space<hbm>>, %arg7: memref<78x128xi32, #tpu.memory_space<vmem>>, %arg8: memref<78x128xi32, #tpu.memory_space<vmem>>, %arg9: memref<1x128xi32, #tpu.memory_space<vmem>>, %arg10: memref<1x128xi32, #tpu.memory_space<vmem>>, %arg11: memref<128x64xf32, #tpu.memory_space<vmem>>, %arg12: memref<128x64xf32, #tpu.memory_space<vmem>>, %arg13: memref<!tpu.dma_semaphore, #tpu.memory_space<semaphore_mem>>, %arg14: memref<!tpu.dma_semaphore, #tpu.memory_space<semaphore_mem>>, %arg15: memref<10112x64xf32, #tpu.memory_space<vmem_shared>>, %arg16: memref<10112x64xf32, #tpu.memory_space<vmem_shared>>) attributes {dimension_semantics = [#tpu.dimension_semantics<core_parallel>, #tpu.dimension_semantics<subcore_parallel>], iteration_bounds = array<i64: 2, 16>, scalar_prefetch = 0 : i64, scratch_operands = 10 : i64, tpu.core_type = #tpu.core_type<sc_vector_subcore>, window_params = [{transform_indices = #map}, {transform_indices = #map}, {transform_indices = #map}, {transform_indices = #map}, {transform_indices = #map1}]} {
    %mul3A = arith.constant 16 : i32
    %mul3A_0 = arith.muli %arg0, %mul3A : i32
    %add3A = arith.addi %mul3A_0, %arg1 : i32
    %mul3A_1 = arith.constant 632 : i32
    %mul3A_2 = arith.muli %arg1, %mul3A_1 : i32
    %mul3A_3 = arith.constant 78 : i32
    %mul3A_4 = arith.muli %add3A, %mul3A_3 : i32
    %dma_start3A = arith.constant 0 : i32
    %dma_start3A_5 = tpu.memref_slice %arg15[%mul3A_2, %dma_start3A] : memref<10112x64xf32, #tpu.memory_space<vmem_shared>> -> memref<632x64xf32, #tpu.memory_space<vmem_shared>>
    %dma_start3A_6 = arith.constant 0 : i32
    %dma_start3A_7 = tpu.memref_slice %arg2[%mul3A_2, %dma_start3A_6] : memref<10112x64xf32, #tpu.memory_space<hbm>> -> memref<632x64xf32, #tpu.memory_space<hbm>>
    tpu.enqueue_dma source(%dma_start3A_7 : memref<632x64xf32, #tpu.memory_space<hbm>>) target(%dma_start3A_5 : memref<632x64xf32, #tpu.memory_space<vmem_shared>>) target_semaphore(%arg13 : memref<!tpu.dma_semaphore, #tpu.memory_space<semaphore_mem>>)
    %dma_start3A_8 = arith.constant 0 : i32
    %dma_start3A_9 = tpu.memref_slice %arg16[%mul3A_2, %dma_start3A_8] : memref<10112x64xf32, #tpu.memory_space<vmem_shared>> -> memref<632x64xf32, #tpu.memory_space<vmem_shared>>
    %dma_start3A_10 = arith.constant 0 : i32
    %dma_start3A_11 = tpu.memref_slice %arg5[%mul3A_2, %dma_start3A_10] : memref<10112x72xf32, #tpu.memory_space<hbm>> -> memref<632x64xf32, #tpu.memory_space<hbm>>
    tpu.enqueue_dma source(%dma_start3A_11 : memref<632x64xf32, #tpu.memory_space<hbm>>) target(%dma_start3A_9 : memref<632x64xf32, #tpu.memory_space<vmem_shared>>) target_semaphore(%arg13 : memref<!tpu.dma_semaphore, #tpu.memory_space<semaphore_mem>>)
    %dma_start3A_12 = arith.constant 0 : i32
    %dma_start3A_13 = tpu.memref_slice %arg3[%mul3A_4, %dma_start3A_12] : memref<2500x128xi32, #tpu.memory_space<hbm>> -> memref<78x128xi32, #tpu.memory_space<hbm>>
    %dma_start3A_14 = arith.constant 0 : i32
    %dma_start3A_15 = tpu.memref_slice %arg3[%mul3A_4, %dma_start3A_14] : memref<2500x128xi32, #tpu.memory_space<hbm>> -> memref<78x128xi32, #tpu.memory_space<hbm>>
    tpu.enqueue_dma source(%dma_start3A_15 : memref<78x128xi32, #tpu.memory_space<hbm>>) target(%arg7 : memref<78x128xi32, #tpu.memory_space<vmem>>) target_semaphore(%arg13 : memref<!tpu.dma_semaphore, #tpu.memory_space<semaphore_mem>>)
    %dma_start3A_16 = arith.constant 0 : i32
    %dma_start3A_17 = tpu.memref_slice %arg4[%mul3A_4, %dma_start3A_16] : memref<2500x128xi32, #tpu.memory_space<hbm>> -> memref<78x128xi32, #tpu.memory_space<hbm>>
    %dma_start3A_18 = arith.constant 0 : i32
    %dma_start3A_19 = tpu.memref_slice %arg4[%mul3A_4, %dma_start3A_18] : memref<2500x128xi32, #tpu.memory_space<hbm>> -> memref<78x128xi32, #tpu.memory_space<hbm>>
    tpu.enqueue_dma source(%dma_start3A_19 : memref<78x128xi32, #tpu.memory_space<hbm>>) target(%arg8 : memref<78x128xi32, #tpu.memory_space<vmem>>) target_semaphore(%arg13 : memref<!tpu.dma_semaphore, #tpu.memory_space<semaphore_mem>>)
    %dma_wait3A = arith.constant 0 : i32
    %dma_wait3A_20 = tpu.memref_slice %arg15[%mul3A_2, %dma_wait3A] : memref<10112x64xf32, #tpu.memory_space<vmem_shared>> -> memref<632x64xf32, #tpu.memory_space<vmem_shared>>
    %dma_wait3A_21 = arith.constant 0 : i32
    %dma_wait3A_22 = tpu.memref_slice %arg2[%mul3A_2, %dma_wait3A_21] : memref<10112x64xf32, #tpu.memory_space<hbm>> -> memref<632x64xf32, #tpu.memory_space<hbm>>
    tpu.wait_dma2 semaphore(%arg13 : memref<!tpu.dma_semaphore, #tpu.memory_space<semaphore_mem>>) src(%dma_wait3A_22 : memref<632x64xf32, #tpu.memory_space<hbm>>) dst(%dma_wait3A_20 : memref<632x64xf32, #tpu.memory_space<vmem_shared>>)
    %dma_wait3A_23 = arith.constant 0 : i32
    %dma_wait3A_24 = tpu.memref_slice %arg16[%mul3A_2, %dma_wait3A_23] : memref<10112x64xf32, #tpu.memory_space<vmem_shared>> -> memref<632x64xf32, #tpu.memory_space<vmem_shared>>
    %dma_wait3A_25 = arith.constant 0 : i32
    %dma_wait3A_26 = tpu.memref_slice %arg5[%mul3A_2, %dma_wait3A_25] : memref<10112x72xf32, #tpu.memory_space<hbm>> -> memref<632x64xf32, #tpu.memory_space<hbm>>
    tpu.wait_dma2 semaphore(%arg13 : memref<!tpu.dma_semaphore, #tpu.memory_space<semaphore_mem>>) src(%dma_wait3A_26 : memref<632x64xf32, #tpu.memory_space<hbm>>) dst(%dma_wait3A_24 : memref<632x64xf32, #tpu.memory_space<vmem_shared>>)
    %dma_wait3A_27 = arith.constant 0 : i32
    %dma_wait3A_28 = tpu.memref_slice %arg3[%mul3A_4, %dma_wait3A_27] : memref<2500x128xi32, #tpu.memory_space<hbm>> -> memref<78x128xi32, #tpu.memory_space<hbm>>
    %dma_wait3A_29 = arith.constant 0 : i32
    %dma_wait3A_30 = tpu.memref_slice %arg3[%mul3A_4, %dma_wait3A_29] : memref<2500x128xi32, #tpu.memory_space<hbm>> -> memref<78x128xi32, #tpu.memory_space<hbm>>
    tpu.wait_dma2 semaphore(%arg13 : memref<!tpu.dma_semaphore, #tpu.memory_space<semaphore_mem>>) src(%dma_wait3A_30 : memref<78x128xi32, #tpu.memory_space<hbm>>) dst(%arg7 : memref<78x128xi32, #tpu.memory_space<vmem>>)
    %dma_wait3A_31 = arith.constant 0 : i32
    %dma_wait3A_32 = tpu.memref_slice %arg4[%mul3A_4, %dma_wait3A_31] : memref<2500x128xi32, #tpu.memory_space<hbm>> -> memref<78x128xi32, #tpu.memory_space<hbm>>
    %dma_wait3A_33 = arith.constant 0 : i32
    %dma_wait3A_34 = tpu.memref_slice %arg4[%mul3A_4, %dma_wait3A_33] : memref<2500x128xi32, #tpu.memory_space<hbm>> -> memref<78x128xi32, #tpu.memory_space<hbm>>
    tpu.wait_dma2 semaphore(%arg13 : memref<!tpu.dma_semaphore, #tpu.memory_space<semaphore_mem>>) src(%dma_wait3A_34 : memref<78x128xi32, #tpu.memory_space<hbm>>) dst(%arg8 : memref<78x128xi32, #tpu.memory_space<vmem>>)
    %lt3A = arith.constant 4 : i32
    %lt3A_35 = arith.cmpi slt, %add3A, %lt3A : i32
    %convert_element_type3A = arith.extui %lt3A_35 : i1 to i32
    %cond3A = arith.constant 0 : i32
    %cond3A_36 = arith.cmpi ne, %convert_element_type3A, %cond3A : i32
    scf.if %cond3A_36 {
      %add3A_86 = arith.constant 2496 : i32
      %add3A_87 = arith.addi %add3A_86, %add3A : i32
      %dma_start3A_88 = arith.constant 0 : i32
      %dma_start3A_89 = tpu.memref_slice %arg3[%add3A_87, %dma_start3A_88] : memref<2500x128xi32, #tpu.memory_space<hbm>> -> memref<1x128xi32, #tpu.memory_space<hbm>>
      %dma_start3A_90 = arith.constant 0 : i32
      %dma_start3A_91 = tpu.memref_slice %arg3[%add3A_87, %dma_start3A_90] : memref<2500x128xi32, #tpu.memory_space<hbm>> -> memref<1x128xi32, #tpu.memory_space<hbm>>
      tpu.enqueue_dma source(%dma_start3A_91 : memref<1x128xi32, #tpu.memory_space<hbm>>) target(%arg9 : memref<1x128xi32, #tpu.memory_space<vmem>>) target_semaphore(%arg13 : memref<!tpu.dma_semaphore, #tpu.memory_space<semaphore_mem>>)
      %dma_start3A_92 = arith.constant 0 : i32
      %dma_start3A_93 = tpu.memref_slice %arg4[%add3A_87, %dma_start3A_92] : memref<2500x128xi32, #tpu.memory_space<hbm>> -> memref<1x128xi32, #tpu.memory_space<hbm>>
      %dma_start3A_94 = arith.constant 0 : i32
      %dma_start3A_95 = tpu.memref_slice %arg4[%add3A_87, %dma_start3A_94] : memref<2500x128xi32, #tpu.memory_space<hbm>> -> memref<1x128xi32, #tpu.memory_space<hbm>>
      tpu.enqueue_dma source(%dma_start3A_95 : memref<1x128xi32, #tpu.memory_space<hbm>>) target(%arg10 : memref<1x128xi32, #tpu.memory_space<vmem>>) target_semaphore(%arg13 : memref<!tpu.dma_semaphore, #tpu.memory_space<semaphore_mem>>)
      %dma_wait3A_96 = arith.constant 0 : i32
      %dma_wait3A_97 = tpu.memref_slice %arg3[%add3A_87, %dma_wait3A_96] : memref<2500x128xi32, #tpu.memory_space<hbm>> -> memref<1x128xi32, #tpu.memory_space<hbm>>
      %dma_wait3A_98 = arith.constant 0 : i32
      %dma_wait3A_99 = tpu.memref_slice %arg3[%add3A_87, %dma_wait3A_98] : memref<2500x128xi32, #tpu.memory_space<hbm>> -> memref<1x128xi32, #tpu.memory_space<hbm>>
      tpu.wait_dma2 semaphore(%arg13 : memref<!tpu.dma_semaphore, #tpu.memory_space<semaphore_mem>>) src(%dma_wait3A_99 : memref<1x128xi32, #tpu.memory_space<hbm>>) dst(%arg9 : memref<1x128xi32, #tpu.memory_space<vmem>>)
      %dma_wait3A_100 = arith.constant 0 : i32
      %dma_wait3A_101 = tpu.memref_slice %arg4[%add3A_87, %dma_wait3A_100] : memref<2500x128xi32, #tpu.memory_space<hbm>> -> memref<1x128xi32, #tpu.memory_space<hbm>>
      %dma_wait3A_102 = arith.constant 0 : i32
      %dma_wait3A_103 = tpu.memref_slice %arg4[%add3A_87, %dma_wait3A_102] : memref<2500x128xi32, #tpu.memory_space<hbm>> -> memref<1x128xi32, #tpu.memory_space<hbm>>
      tpu.wait_dma2 semaphore(%arg13 : memref<!tpu.dma_semaphore, #tpu.memory_space<semaphore_mem>>) src(%dma_wait3A_103 : memref<1x128xi32, #tpu.memory_space<hbm>>) dst(%arg10 : memref<1x128xi32, #tpu.memory_space<vmem>>)
    } else {
    }
    %barrier3A = arith.constant 0 : index
    tpu.barrier barrier_id(%barrier3A)
    %dma_start3A_37 = arith.constant 0 : i32
    %dma_start3A_38 = arith.constant 0 : i32
    %dma_start3A_39 = tpu.memref_slice %arg7[%dma_start3A_37, %dma_start3A_38] : memref<78x128xi32, #tpu.memory_space<vmem>> -> memref<1x128xi32, #tpu.memory_space<vmem>>
    %dma_start3A_40 = tpu.memref_squeeze %dma_start3A_39 : memref<1x128xi32, #tpu.memory_space<vmem>> -> memref<128xi32, #tpu.memory_space<vmem>>
    %dma_start3A_41 = arith.constant 0 : i32
    %dma_start3A_42 = arith.constant 0 : i32
    %dma_start3A_43 = tpu.memref_slice %arg15[%dma_start3A_41, %dma_start3A_42] : memref<10112x64xf32, #tpu.memory_space<vmem_shared>> -> memref<10112x64xf32, #tpu.memory_space<vmem_shared>>
    tpu.enqueue_indirect_dma source(%dma_start3A_43 : memref<10112x64xf32, #tpu.memory_space<vmem_shared>>) target(%arg11 : memref<128x64xf32, #tpu.memory_space<vmem>>) offsets(%dma_start3A_40 : memref<128xi32, #tpu.memory_space<vmem>>) semaphore(%arg13 : memref<!tpu.dma_semaphore, #tpu.memory_space<semaphore_mem>>)
    %dma_start3A_44 = arith.constant 1 : i32
    %dma_start3A_45 = arith.constant 0 : i32
    %dma_start3A_46 = tpu.memref_slice %arg7[%dma_start3A_44, %dma_start3A_45] : memref<78x128xi32, #tpu.memory_space<vmem>> -> memref<1x128xi32, #tpu.memory_space<vmem>>
    %dma_start3A_47 = tpu.memref_squeeze %dma_start3A_46 : memref<1x128xi32, #tpu.memory_space<vmem>> -> memref<128xi32, #tpu.memory_space<vmem>>
    %dma_start3A_48 = arith.constant 0 : i32
    %dma_start3A_49 = arith.constant 0 : i32
    %dma_start3A_50 = tpu.memref_slice %arg15[%dma_start3A_48, %dma_start3A_49] : memref<10112x64xf32, #tpu.memory_space<vmem_shared>> -> memref<10112x64xf32, #tpu.memory_space<vmem_shared>>
    tpu.enqueue_indirect_dma source(%dma_start3A_50 : memref<10112x64xf32, #tpu.memory_space<vmem_shared>>) target(%arg12 : memref<128x64xf32, #tpu.memory_space<vmem>>) offsets(%dma_start3A_47 : memref<128xi32, #tpu.memory_space<vmem>>) semaphore(%arg14 : memref<!tpu.dma_semaphore, #tpu.memory_space<semaphore_mem>>)
    %scan3A = arith.constant 0 : i32
    %scan3A_51 = arith.constant 0 : i32
    %scan3A_52 = arith.constant 39 : i32
    %scan3A_53 = arith.addi %scan3A_51, %scan3A_52 : i32
    %scan3A_54 = arith.constant 1 : i32
    scf.for %scan3A_86 = %scan3A_51 to %scan3A_53 step %scan3A_54  : i32 {
      %mul3A_87 = arith.constant 2 : i32
      %mul3A_88 = arith.muli %scan3A_86, %mul3A_87 : i32
      %add3A_89 = arith.constant 0 : i32
      %add3A_90 = arith.addi %mul3A_88, %add3A_89 : i32
      %dma_wait3A_91 = arith.constant 0 : i32
      %dma_wait3A_92 = tpu.memref_slice %arg7[%add3A_90, %dma_wait3A_91] : memref<78x128xi32, #tpu.memory_space<vmem>> -> memref<1x128xi32, #tpu.memory_space<vmem>>
      %dma_wait3A_93 = tpu.memref_squeeze %dma_wait3A_92 : memref<1x128xi32, #tpu.memory_space<vmem>> -> memref<128xi32, #tpu.memory_space<vmem>>
      %dma_wait3A_94 = arith.constant 0 : i32
      %dma_wait3A_95 = arith.constant 0 : i32
      %dma_wait3A_96 = tpu.memref_slice %arg15[%dma_wait3A_94, %dma_wait3A_95] : memref<10112x64xf32, #tpu.memory_space<vmem_shared>> -> memref<10112x64xf32, #tpu.memory_space<vmem_shared>>
      tpu.wait_indirect_dma semaphore(%arg13 : memref<!tpu.dma_semaphore, #tpu.memory_space<semaphore_mem>>) src(%dma_wait3A_96 : memref<10112x64xf32, #tpu.memory_space<vmem_shared>>) dst(%arg11 : memref<128x64xf32, #tpu.memory_space<vmem>>)
      "tpu.region"() ({
        %run_scoped3A = tpu.sem_alloc : memref<!tpu.dma_semaphore, #tpu.memory_space<semaphore_mem>>
        %dma_start3A_126 = arith.constant 0 : i32
        %dma_start3A_127 = tpu.memref_slice %arg8[%add3A_90, %dma_start3A_126] : memref<78x128xi32, #tpu.memory_space<vmem>> -> memref<1x128xi32, #tpu.memory_space<vmem>>
        %dma_start3A_128 = tpu.memref_squeeze %dma_start3A_127 : memref<1x128xi32, #tpu.memory_space<vmem>> -> memref<128xi32, #tpu.memory_space<vmem>>
        %dma_start3A_129 = arith.constant 0 : i32
        %dma_start3A_130 = arith.constant 0 : i32
        %dma_start3A_131 = tpu.memref_slice %arg16[%dma_start3A_129, %dma_start3A_130] : memref<10112x64xf32, #tpu.memory_space<vmem_shared>> -> memref<10112x64xf32, #tpu.memory_space<vmem_shared>>
        tpu.enqueue_indirect_dma source(%arg11 : memref<128x64xf32, #tpu.memory_space<vmem>>) target(%dma_start3A_131 : memref<10112x64xf32, #tpu.memory_space<vmem_shared>>) offsets(%dma_start3A_128 : memref<128xi32, #tpu.memory_space<vmem>>) semaphore(%run_scoped3A : memref<!tpu.dma_semaphore, #tpu.memory_space<semaphore_mem>>) {add = true}
        %dma_wait3A_132 = arith.constant 0 : i32
        %dma_wait3A_133 = tpu.memref_slice %arg8[%add3A_90, %dma_wait3A_132] : memref<78x128xi32, #tpu.memory_space<vmem>> -> memref<1x128xi32, #tpu.memory_space<vmem>>
        %dma_wait3A_134 = tpu.memref_squeeze %dma_wait3A_133 : memref<1x128xi32, #tpu.memory_space<vmem>> -> memref<128xi32, #tpu.memory_space<vmem>>
        %dma_wait3A_135 = arith.constant 0 : i32
        %dma_wait3A_136 = arith.constant 0 : i32
        %dma_wait3A_137 = tpu.memref_slice %arg16[%dma_wait3A_135, %dma_wait3A_136] : memref<10112x64xf32, #tpu.memory_space<vmem_shared>> -> memref<10112x64xf32, #tpu.memory_space<vmem_shared>>
        tpu.wait_indirect_dma semaphore(%run_scoped3A : memref<!tpu.dma_semaphore, #tpu.memory_space<semaphore_mem>>) src(%arg11 : memref<128x64xf32, #tpu.memory_space<vmem>>) dst(%dma_wait3A_137 : memref<10112x64xf32, #tpu.memory_space<vmem_shared>>)
        tpu.yield
      }) : () -> ()
      %add3A_97 = arith.constant 2 : i32
      %add3A_98 = arith.addi %add3A_90, %add3A_97 : i32
      %min3A = arith.constant 77 : i32
      %min3A_99 = arith.minsi %add3A_98, %min3A : i32
      %dma_start3A_100 = arith.constant 0 : i32
      %dma_start3A_101 = tpu.memref_slice %arg7[%min3A_99, %dma_start3A_100] : memref<78x128xi32, #tpu.memory_space<vmem>> -> memref<1x128xi32, #tpu.memory_space<vmem>>
      %dma_start3A_102 = tpu.memref_squeeze %dma_start3A_101 : memref<1x128xi32, #tpu.memory_space<vmem>> -> memref<128xi32, #tpu.memory_space<vmem>>
      %dma_start3A_103 = arith.constant 0 : i32
      %dma_start3A_104 = arith.constant 0 : i32
      %dma_start3A_105 = tpu.memref_slice %arg15[%dma_start3A_103, %dma_start3A_104] : memref<10112x64xf32, #tpu.memory_space<vmem_shared>> -> memref<10112x64xf32, #tpu.memory_space<vmem_shared>>
      tpu.enqueue_indirect_dma source(%dma_start3A_105 : memref<10112x64xf32, #tpu.memory_space<vmem_shared>>) target(%arg11 : memref<128x64xf32, #tpu.memory_space<vmem>>) offsets(%dma_start3A_102 : memref<128xi32, #tpu.memory_space<vmem>>) semaphore(%arg13 : memref<!tpu.dma_semaphore, #tpu.memory_space<semaphore_mem>>)
      %mul3A_106 = arith.constant 2 : i32
      %mul3A_107 = arith.muli %scan3A_86, %mul3A_106 : i32
      %add3A_108 = arith.constant 1 : i32
      %add3A_109 = arith.addi %mul3A_107, %add3A_108 : i32
      %dma_wait3A_110 = arith.constant 0 : i32
      %dma_wait3A_111 = tpu.memref_slice %arg7[%add3A_109, %dma_wait3A_110] : memref<78x128xi32, #tpu.memory_space<vmem>> -> memref<1x128xi32, #tpu.memory_space<vmem>>
      %dma_wait3A_112 = tpu.memref_squeeze %dma_wait3A_111 : memref<1x128xi32, #tpu.memory_space<vmem>> -> memref<128xi32, #tpu.memory_space<vmem>>
      %dma_wait3A_113 = arith.constant 0 : i32
      %dma_wait3A_114 = arith.constant 0 : i32
      %dma_wait3A_115 = tpu.memref_slice %arg15[%dma_wait3A_113, %dma_wait3A_114] : memref<10112x64xf32, #tpu.memory_space<vmem_shared>> -> memref<10112x64xf32, #tpu.memory_space<vmem_shared>>
      tpu.wait_indirect_dma semaphore(%arg14 : memref<!tpu.dma_semaphore, #tpu.memory_space<semaphore_mem>>) src(%dma_wait3A_115 : memref<10112x64xf32, #tpu.memory_space<vmem_shared>>) dst(%arg12 : memref<128x64xf32, #tpu.memory_space<vmem>>)
      "tpu.region"() ({
        %run_scoped3A = tpu.sem_alloc : memref<!tpu.dma_semaphore, #tpu.memory_space<semaphore_mem>>
        %dma_start3A_126 = arith.constant 0 : i32
        %dma_start3A_127 = tpu.memref_slice %arg8[%add3A_109, %dma_start3A_126] : memref<78x128xi32, #tpu.memory_space<vmem>> -> memref<1x128xi32, #tpu.memory_space<vmem>>
        %dma_start3A_128 = tpu.memref_squeeze %dma_start3A_127 : memref<1x128xi32, #tpu.memory_space<vmem>> -> memref<128xi32, #tpu.memory_space<vmem>>
        %dma_start3A_129 = arith.constant 0 : i32
        %dma_start3A_130 = arith.constant 0 : i32
        %dma_start3A_131 = tpu.memref_slice %arg16[%dma_start3A_129, %dma_start3A_130] : memref<10112x64xf32, #tpu.memory_space<vmem_shared>> -> memref<10112x64xf32, #tpu.memory_space<vmem_shared>>
        tpu.enqueue_indirect_dma source(%arg12 : memref<128x64xf32, #tpu.memory_space<vmem>>) target(%dma_start3A_131 : memref<10112x64xf32, #tpu.memory_space<vmem_shared>>) offsets(%dma_start3A_128 : memref<128xi32, #tpu.memory_space<vmem>>) semaphore(%run_scoped3A : memref<!tpu.dma_semaphore, #tpu.memory_space<semaphore_mem>>) {add = true}
        %dma_wait3A_132 = arith.constant 0 : i32
        %dma_wait3A_133 = tpu.memref_slice %arg8[%add3A_109, %dma_wait3A_132] : memref<78x128xi32, #tpu.memory_space<vmem>> -> memref<1x128xi32, #tpu.memory_space<vmem>>
        %dma_wait3A_134 = tpu.memref_squeeze %dma_wait3A_133 : memref<1x128xi32, #tpu.memory_space<vmem>> -> memref<128xi32, #tpu.memory_space<vmem>>
        %dma_wait3A_135 = arith.constant 0 : i32
        %dma_wait3A_136 = arith.constant 0 : i32
        %dma_wait3A_137 = tpu.memref_slice %arg16[%dma_wait3A_135, %dma_wait3A_136] : memref<10112x64xf32, #tpu.memory_space<vmem_shared>> -> memref<10112x64xf32, #tpu.memory_space<vmem_shared>>
        tpu.wait_indirect_dma semaphore(%run_scoped3A : memref<!tpu.dma_semaphore, #tpu.memory_space<semaphore_mem>>) src(%arg12 : memref<128x64xf32, #tpu.memory_space<vmem>>) dst(%dma_wait3A_137 : memref<10112x64xf32, #tpu.memory_space<vmem_shared>>)
        tpu.yield
      }) : () -> ()
      %add3A_116 = arith.constant 2 : i32
      %add3A_117 = arith.addi %add3A_109, %add3A_116 : i32
      %min3A_118 = arith.constant 77 : i32
      %min3A_119 = arith.minsi %add3A_117, %min3A_118 : i32
      %dma_start3A_120 = arith.constant 0 : i32
      %dma_start3A_121 = tpu.memref_slice %arg7[%min3A_119, %dma_start3A_120] : memref<78x128xi32, #tpu.memory_space<vmem>> -> memref<1x128xi32, #tpu.memory_space<vmem>>
      %dma_start3A_122 = tpu.memref_squeeze %dma_start3A_121 : memref<1x128xi32, #tpu.memory_space<vmem>> -> memref<128xi32, #tpu.memory_space<vmem>>
      %dma_start3A_123 = arith.constant 0 : i32
      %dma_start3A_124 = arith.constant 0 : i32
      %dma_start3A_125 = tpu.memref_slice %arg15[%dma_start3A_123, %dma_start3A_124] : memref<10112x64xf32, #tpu.memory_space<vmem_shared>> -> memref<10112x64xf32, #tpu.memory_space<vmem_shared>>
      tpu.enqueue_indirect_dma source(%dma_start3A_125 : memref<10112x64xf32, #tpu.memory_space<vmem_shared>>) target(%arg12 : memref<128x64xf32, #tpu.memory_space<vmem>>) offsets(%dma_start3A_122 : memref<128xi32, #tpu.memory_space<vmem>>) semaphore(%arg14 : memref<!tpu.dma_semaphore, #tpu.memory_space<semaphore_mem>>)
    }
    %scan3A_55 = arith.constant 39 : i32
    %dma_wait3A_56 = arith.constant 77 : i32
    %dma_wait3A_57 = arith.constant 0 : i32
    %dma_wait3A_58 = tpu.memref_slice %arg7[%dma_wait3A_56, %dma_wait3A_57] : memref<78x128xi32, #tpu.memory_space<vmem>> -> memref<1x128xi32, #tpu.memory_space<vmem>>
    %dma_wait3A_59 = tpu.memref_squeeze %dma_wait3A_58 : memref<1x128xi32, #tpu.memory_space<vmem>> -> memref<128xi32, #tpu.memory_space<vmem>>
    %dma_wait3A_60 = arith.constant 0 : i32
    %dma_wait3A_61 = arith.constant 0 : i32
    %dma_wait3A_62 = tpu.memref_slice %arg15[%dma_wait3A_60, %dma_wait3A_61] : memref<10112x64xf32, #tpu.memory_space<vmem_shared>> -> memref<10112x64xf32, #tpu.memory_space<vmem_shared>>
    tpu.wait_indirect_dma semaphore(%arg13 : memref<!tpu.dma_semaphore, #tpu.memory_space<semaphore_mem>>) src(%dma_wait3A_62 : memref<10112x64xf32, #tpu.memory_space<vmem_shared>>) dst(%arg11 : memref<128x64xf32, #tpu.memory_space<vmem>>)
    %dma_wait3A_63 = arith.constant 77 : i32
    %dma_wait3A_64 = arith.constant 0 : i32
    %dma_wait3A_65 = tpu.memref_slice %arg7[%dma_wait3A_63, %dma_wait3A_64] : memref<78x128xi32, #tpu.memory_space<vmem>> -> memref<1x128xi32, #tpu.memory_space<vmem>>
    %dma_wait3A_66 = tpu.memref_squeeze %dma_wait3A_65 : memref<1x128xi32, #tpu.memory_space<vmem>> -> memref<128xi32, #tpu.memory_space<vmem>>
    %dma_wait3A_67 = arith.constant 0 : i32
    %dma_wait3A_68 = arith.constant 0 : i32
    %dma_wait3A_69 = tpu.memref_slice %arg15[%dma_wait3A_67, %dma_wait3A_68] : memref<10112x64xf32, #tpu.memory_space<vmem_shared>> -> memref<10112x64xf32, #tpu.memory_space<vmem_shared>>
    tpu.wait_indirect_dma semaphore(%arg14 : memref<!tpu.dma_semaphore, #tpu.memory_space<semaphore_mem>>) src(%dma_wait3A_69 : memref<10112x64xf32, #tpu.memory_space<vmem_shared>>) dst(%arg12 : memref<128x64xf32, #tpu.memory_space<vmem>>)
    %lt3A_70 = arith.constant 4 : i32
    %lt3A_71 = arith.cmpi slt, %add3A, %lt3A_70 : i32
    %convert_element_type3A_72 = arith.extui %lt3A_71 : i1 to i32
    %cond3A_73 = arith.constant 0 : i32
    %cond3A_74 = arith.cmpi ne, %convert_element_type3A_72, %cond3A_73 : i32
    scf.if %cond3A_74 {
      %dma_start3A_86 = arith.constant 0 : i32
      %dma_start3A_87 = arith.constant 0 : i32
      %dma_start3A_88 = tpu.memref_slice %arg9[%dma_start3A_86, %dma_start3A_87] : memref<1x128xi32, #tpu.memory_space<vmem>> -> memref<1x128xi32, #tpu.memory_space<vmem>>
      %dma_start3A_89 = tpu.memref_squeeze %dma_start3A_88 : memref<1x128xi32, #tpu.memory_space<vmem>> -> memref<128xi32, #tpu.memory_space<vmem>>
      %dma_start3A_90 = arith.constant 0 : i32
      %dma_start3A_91 = arith.constant 0 : i32
      %dma_start3A_92 = tpu.memref_slice %arg15[%dma_start3A_90, %dma_start3A_91] : memref<10112x64xf32, #tpu.memory_space<vmem_shared>> -> memref<10112x64xf32, #tpu.memory_space<vmem_shared>>
      tpu.enqueue_indirect_dma source(%dma_start3A_92 : memref<10112x64xf32, #tpu.memory_space<vmem_shared>>) target(%arg11 : memref<128x64xf32, #tpu.memory_space<vmem>>) offsets(%dma_start3A_89 : memref<128xi32, #tpu.memory_space<vmem>>) semaphore(%arg13 : memref<!tpu.dma_semaphore, #tpu.memory_space<semaphore_mem>>)
      %dma_wait3A_93 = arith.constant 0 : i32
      %dma_wait3A_94 = arith.constant 0 : i32
      %dma_wait3A_95 = tpu.memref_slice %arg9[%dma_wait3A_93, %dma_wait3A_94] : memref<1x128xi32, #tpu.memory_space<vmem>> -> memref<1x128xi32, #tpu.memory_space<vmem>>
      %dma_wait3A_96 = tpu.memref_squeeze %dma_wait3A_95 : memref<1x128xi32, #tpu.memory_space<vmem>> -> memref<128xi32, #tpu.memory_space<vmem>>
      %dma_wait3A_97 = arith.constant 0 : i32
      %dma_wait3A_98 = arith.constant 0 : i32
      %dma_wait3A_99 = tpu.memref_slice %arg15[%dma_wait3A_97, %dma_wait3A_98] : memref<10112x64xf32, #tpu.memory_space<vmem_shared>> -> memref<10112x64xf32, #tpu.memory_space<vmem_shared>>
      tpu.wait_indirect_dma semaphore(%arg13 : memref<!tpu.dma_semaphore, #tpu.memory_space<semaphore_mem>>) src(%dma_wait3A_99 : memref<10112x64xf32, #tpu.memory_space<vmem_shared>>) dst(%arg11 : memref<128x64xf32, #tpu.memory_space<vmem>>)
      %run_scoped3A = arith.constant 0 : i32
      "tpu.region"() ({
        %run_scoped3A_100 = tpu.sem_alloc : memref<!tpu.dma_semaphore, #tpu.memory_space<semaphore_mem>>
        %dma_start3A_101 = arith.constant 0 : i32
        %dma_start3A_102 = tpu.memref_slice %arg10[%run_scoped3A, %dma_start3A_101] : memref<1x128xi32, #tpu.memory_space<vmem>> -> memref<1x128xi32, #tpu.memory_space<vmem>>
        %dma_start3A_103 = tpu.memref_squeeze %dma_start3A_102 : memref<1x128xi32, #tpu.memory_space<vmem>> -> memref<128xi32, #tpu.memory_space<vmem>>
        %dma_start3A_104 = arith.constant 0 : i32
        %dma_start3A_105 = arith.constant 0 : i32
        %dma_start3A_106 = tpu.memref_slice %arg16[%dma_start3A_104, %dma_start3A_105] : memref<10112x64xf32, #tpu.memory_space<vmem_shared>> -> memref<10112x64xf32, #tpu.memory_space<vmem_shared>>
        tpu.enqueue_indirect_dma source(%arg11 : memref<128x64xf32, #tpu.memory_space<vmem>>) target(%dma_start3A_106 : memref<10112x64xf32, #tpu.memory_space<vmem_shared>>) offsets(%dma_start3A_103 : memref<128xi32, #tpu.memory_space<vmem>>) semaphore(%run_scoped3A_100 : memref<!tpu.dma_semaphore, #tpu.memory_space<semaphore_mem>>) {add = true}
        %dma_wait3A_107 = arith.constant 0 : i32
        %dma_wait3A_108 = tpu.memref_slice %arg10[%run_scoped3A, %dma_wait3A_107] : memref<1x128xi32, #tpu.memory_space<vmem>> -> memref<1x128xi32, #tpu.memory_space<vmem>>
        %dma_wait3A_109 = tpu.memref_squeeze %dma_wait3A_108 : memref<1x128xi32, #tpu.memory_space<vmem>> -> memref<128xi32, #tpu.memory_space<vmem>>
        %dma_wait3A_110 = arith.constant 0 : i32
        %dma_wait3A_111 = arith.constant 0 : i32
        %dma_wait3A_112 = tpu.memref_slice %arg16[%dma_wait3A_110, %dma_wait3A_111] : memref<10112x64xf32, #tpu.memory_space<vmem_shared>> -> memref<10112x64xf32, #tpu.memory_space<vmem_shared>>
        tpu.wait_indirect_dma semaphore(%run_scoped3A_100 : memref<!tpu.dma_semaphore, #tpu.memory_space<semaphore_mem>>) src(%arg11 : memref<128x64xf32, #tpu.memory_space<vmem>>) dst(%dma_wait3A_112 : memref<10112x64xf32, #tpu.memory_space<vmem_shared>>)
        tpu.yield
      }) : () -> ()
    } else {
    }
    %barrier3A_75 = arith.constant 0 : index
    tpu.barrier barrier_id(%barrier3A_75)
    %dma_start3A_76 = arith.constant 0 : i32
    %dma_start3A_77 = tpu.memref_slice %arg6[%arg0, %mul3A_2, %dma_start3A_76] : memref<2x10112x64xf32, #tpu.memory_space<hbm>> -> memref<1x632x64xf32, #tpu.memory_space<hbm>>
    %dma_start3A_78 = tpu.memref_squeeze %dma_start3A_77 : memref<1x632x64xf32, #tpu.memory_space<hbm>> -> memref<632x64xf32, #tpu.memory_space<hbm>>
    %dma_start3A_79 = arith.constant 0 : i32
    %dma_start3A_80 = tpu.memref_slice %arg16[%mul3A_2, %dma_start3A_79] : memref<10112x64xf32, #tpu.memory_space<vmem_shared>> -> memref<632x64xf32, #tpu.memory_space<vmem_shared>>
    tpu.enqueue_dma source(%dma_start3A_80 : memref<632x64xf32, #tpu.memory_space<vmem_shared>>) target(%dma_start3A_78 : memref<632x64xf32, #tpu.memory_space<hbm>>) target_semaphore(%arg13 : memref<!tpu.dma_semaphore, #tpu.memory_space<semaphore_mem>>)
    %dma_wait3A_81 = arith.constant 0 : i32
    %dma_wait3A_82 = tpu.memref_slice %arg6[%arg0, %mul3A_2, %dma_wait3A_81] : memref<2x10112x64xf32, #tpu.memory_space<hbm>> -> memref<1x632x64xf32, #tpu.memory_space<hbm>>
    %dma_wait3A_83 = tpu.memref_squeeze %dma_wait3A_82 : memref<1x632x64xf32, #tpu.memory_space<hbm>> -> memref<632x64xf32, #tpu.memory_space<hbm>>
    %dma_wait3A_84 = arith.constant 0 : i32
    %dma_wait3A_85 = tpu.memref_slice %arg16[%mul3A_2, %dma_wait3A_84] : memref<10112x64xf32, #tpu.memory_space<vmem_shared>> -> memref<632x64xf32, #tpu.memory_space<vmem_shared>>
    tpu.wait_dma2 semaphore(%arg13 : memref<!tpu.dma_semaphore, #tpu.memory_space<semaphore_mem>>) src(%dma_wait3A_85 : memref<632x64xf32, #tpu.memory_space<vmem_shared>>) dst(%dma_wait3A_83 : memref<632x64xf32, #tpu.memory_space<hbm>>)
    return
  }
}

module attributes {stable_mosaic.version = 14 : i64} {
  func.func @_proj_aug_body(%arg0: i32, %arg1: memref<1000x128xf32, #tpu.memory_space<vmem>>, %arg2: memref<128x64xf32, #tpu.memory_space<vmem>>, %arg3: memref<1000x72xf32, #tpu.memory_space<vmem>>) attributes {dimension_semantics = [#tpu.dimension_semantics<arbitrary>], iteration_bounds = array<i64: 10>, scalar_prefetch = 0 : i64, scratch_operands = 0 : i64, tpu.core_type = #tpu.core_type<tc>, window_params = [{transform_indices = @transform_0, window_bounds = array<i64: 1000, 128>}, {pipeline_mode = #tpu.pipeline_mode<synchronous>, transform_indices = @transform_1, window_bounds = array<i64: 128, 64>}, {transform_indices = @transform_2, window_bounds = array<i64: 1000, 72>}]} {
    %get3A = arith.constant 0 : index
    %get3A_0 = arith.constant 0 : index
    %get3A_1 = vector.load %arg1[%get3A, %get3A_0] : memref<1000x128xf32, #tpu.memory_space<vmem>>, vector<1000x128xf32>
    %get3A_2 = arith.constant 0 : index
    %get3A_3 = arith.constant 0 : index
    %get3A_4 = vector.load %arg2[%get3A_2, %get3A_3] : memref<128x64xf32, #tpu.memory_space<vmem>>, vector<128x64xf32>
    %dot_general3A = arith.constant dense<0.000000e+00> : vector<1000x64xf32>
    %dot_general3A_5 = tpu.matmul %get3A_1, %get3A_4, %dot_general3A {dimension_numbers = #tpu.dot_dimension_numbers<[1], [0], [0], [1], [0, 0, 1, 1], [], []>, transpose_lhs_hint = false} : vector<1000x128xf32>, vector<128x64xf32>, vector<1000x64xf32> -> vector<1000x64xf32>
    %broadcast_in_dim3A = arith.constant 1.000000e+00 : f32
    %broadcast_in_dim3A_6 = vector.broadcast %broadcast_in_dim3A : f32 to vector<1000x1xf32>
    %broadcast_in_dim3A_7 = arith.constant 0.000000e+00 : f32
    %broadcast_in_dim3A_8 = vector.broadcast %broadcast_in_dim3A_7 : f32 to vector<1000x7xf32>
    %concatenate3A = tpu.concatenate %dot_general3A_5, %broadcast_in_dim3A_6, %broadcast_in_dim3A_8 in 1 : vector<1000x64xf32>, vector<1000x1xf32>, vector<1000x7xf32> -> vector<1000x72xf32>
    %swap3A = arith.constant 0 : index
    %swap3A_9 = arith.constant 0 : index
    %swap3A_10 = vector.load %arg3[%swap3A, %swap3A_9] : memref<1000x72xf32, #tpu.memory_space<vmem>>, vector<1000x72xf32>
    tpu.vector_store %arg3[%swap3A, %swap3A_9], %concatenate3A {strides = array<i32>} : memref<1000x72xf32, #tpu.memory_space<vmem>>, vector<1000x72xf32>,
    return
  }
  func.func @transform_0(%arg0: i32) -> (i32, i32) {
    %c0_i32 = arith.constant 0 : i32
    %c0_i32_0 = arith.constant 0 : i32
    return %arg0, %c0_i32 : i32, i32
  }
  func.func @transform_1(%arg0: i32) -> (i32, i32) {
    %c0_i32 = arith.constant 0 : i32
    %c0_i32_0 = arith.constant 0 : i32
    %c0_i32_1 = arith.constant 0 : i32
    return %c0_i32, %c0_i32_0 : i32, i32
  }
  func.func @transform_2(%arg0: i32) -> (i32, i32) {
    %c0_i32 = arith.constant 0 : i32
    %c0_i32_0 = arith.constant 0 : i32
    return %arg0, %c0_i32 : i32, i32
  }
}

module attributes {stable_mosaic.version = 14 : i64} {
  func.func @_proj_body(%arg0: i32, %arg1: memref<1000x128xf32, #tpu.memory_space<vmem>>, %arg2: memref<128x64xf32, #tpu.memory_space<vmem>>, %arg3: memref<1x64xf32, #tpu.memory_space<vmem>>, %arg4: memref<1000x64xf32, #tpu.memory_space<vmem>>) attributes {dimension_semantics = [#tpu.dimension_semantics<arbitrary>], iteration_bounds = array<i64: 10>, scalar_prefetch = 0 : i64, scratch_operands = 0 : i64, tpu.core_type = #tpu.core_type<tc>, window_params = [{transform_indices = @transform_0, window_bounds = array<i64: 1000, 128>}, {pipeline_mode = #tpu.pipeline_mode<synchronous>, transform_indices = @transform_1, window_bounds = array<i64: 128, 64>}, {pipeline_mode = #tpu.pipeline_mode<synchronous>, transform_indices = @transform_2, window_bounds = array<i64: 1, 64>}, {transform_indices = @transform_3, window_bounds = array<i64: 1000, 64>}]} {
    %get3A = arith.constant 0 : index
    %get3A_0 = arith.constant 0 : index
    %get3A_1 = vector.load %arg1[%get3A, %get3A_0] : memref<1000x128xf32, #tpu.memory_space<vmem>>, vector<1000x128xf32>
    %get3A_2 = arith.constant 0 : index
    %get3A_3 = arith.constant 0 : index
    %get3A_4 = vector.load %arg2[%get3A_2, %get3A_3] : memref<128x64xf32, #tpu.memory_space<vmem>>, vector<128x64xf32>
    %dot_general3A = arith.constant dense<0.000000e+00> : vector<1000x64xf32>
    %dot_general3A_5 = tpu.matmul %get3A_1, %get3A_4, %dot_general3A {dimension_numbers = #tpu.dot_dimension_numbers<[1], [0], [0], [1], [0, 0, 1, 1], [], []>, transpose_lhs_hint = false} : vector<1000x128xf32>, vector<128x64xf32>, vector<1000x64xf32> -> vector<1000x64xf32>
    %get3A_6 = arith.constant 0 : index
    %get3A_7 = arith.constant 0 : index
    %get3A_8 = vector.load %arg3[%get3A_6, %get3A_7] : memref<1x64xf32, #tpu.memory_space<vmem>>, vector<1x64xf32>
    %add3A = vector.broadcast %get3A_8 : vector<1x64xf32> to vector<1000x64xf32>
    %add3A_9 = arith.addf %dot_general3A_5, %add3A : vector<1000x64xf32>
    %swap3A = arith.constant 0 : index
    %swap3A_10 = arith.constant 0 : index
    %swap3A_11 = vector.load %arg4[%swap3A, %swap3A_10] : memref<1000x64xf32, #tpu.memory_space<vmem>>, vector<1000x64xf32>
    tpu.vector_store %arg4[%swap3A, %swap3A_10], %add3A_9 {strides = array<i32>} : memref<1000x64xf32, #tpu.memory_space<vmem>>, vector<1000x64xf32>,
    return
  }
  func.func @transform_0(%arg0: i32) -> (i32, i32) {
    %c0_i32 = arith.constant 0 : i32
    %c0_i32_0 = arith.constant 0 : i32
    return %arg0, %c0_i32 : i32, i32
  }
  func.func @transform_1(%arg0: i32) -> (i32, i32) {
    %c0_i32 = arith.constant 0 : i32
    %c0_i32_0 = arith.constant 0 : i32
    %c0_i32_1 = arith.constant 0 : i32
    return %c0_i32, %c0_i32_0 : i32, i32
  }
  func.func @transform_2(%arg0: i32) -> (i32, i32) {
    %c0_i32 = arith.constant 0 : i32
    %c0_i32_0 = arith.constant 0 : i32
    %c0_i32_1 = arith.constant 0 : i32
    return %c0_i32, %c0_i32_0 : i32, i32
  }
  func.func @transform_3(%arg0: i32) -> (i32, i32) {
    %c0_i32 = arith.constant 0 : i32
    %c0_i32_0 = arith.constant 0 : i32
    return %arg0, %c0_i32 : i32, i32
  }
}

module attributes {stable_mosaic.version = 14 : i64} {
  func.func @_tc2_body(%arg0: i32, %arg1: memref<2x632x72xf32, #tpu.memory_space<vmem>>, %arg2: memref<632x64xf32, #tpu.memory_space<vmem>>, %arg3: memref<64x64xf32, #tpu.memory_space<vmem>>, %arg4: memref<632x64xf32, #tpu.memory_space<vmem>>, %arg5: memref<632x64xf32, #tpu.memory_space<vmem>>) attributes {dimension_semantics = [#tpu.dimension_semantics<arbitrary>], iteration_bounds = array<i64: 16>, scalar_prefetch = 0 : i64, scratch_operands = 0 : i64, tpu.core_type = #tpu.core_type<tc>, window_params = [{transform_indices = @transform_0, window_bounds = array<i64: 2, 632, 72>}, {transform_indices = @transform_1, window_bounds = array<i64: 632, 64>}, {pipeline_mode = #tpu.pipeline_mode<synchronous>, transform_indices = @transform_2, window_bounds = array<i64: 64, 64>}, {transform_indices = @transform_3, window_bounds = array<i64: 632, 64>}, {transform_indices = @transform_4, window_bounds = array<i64: 632, 64>}]} {
    %get3A = arith.constant 0 : index
    %get3A_0 = arith.constant 0 : index
    %get3A_1 = arith.constant 0 : index
    %get3A_2 = vector.load %arg1[%get3A, %get3A_0, %get3A_1] : memref<2x632x72xf32, #tpu.memory_space<vmem>>, vector<1x632x72xf32>
    %get3A_3 = vector.shape_cast %get3A_2 : vector<1x632x72xf32> to vector<632x72xf32>
    %get3A_4 = arith.constant 1 : index
    %get3A_5 = arith.constant 0 : index
    %get3A_6 = arith.constant 0 : index
    %get3A_7 = vector.load %arg1[%get3A_4, %get3A_5, %get3A_6] : memref<2x632x72xf32, #tpu.memory_space<vmem>>, vector<1x632x72xf32>
    %get3A_8 = vector.shape_cast %get3A_7 : vector<1x632x72xf32> to vector<632x72xf32>
    %add3A = arith.addf %get3A_3, %get3A_8 : vector<632x72xf32>
    %slice3A = vector.extract_strided_slice %add3A {offsets = [0, 0], sizes = [632, 64], strides = [1, 1]} : vector<632x72xf32> to vector<632x64xf32>
    %slice3A_9 = vector.extract_strided_slice %add3A {offsets = [0, 64], sizes = [632, 1], strides = [1, 1]} : vector<632x72xf32> to vector<632x1xf32>
    %max3A = arith.constant 1.000000e+00 : f32
    %max3A_10 = vector.broadcast %max3A : f32 to vector<632x1xf32>
    %max3A_11 = arith.maximumf %slice3A_9, %max3A_10 : vector<632x1xf32>
    %div3A = arith.constant 1.000000e+00 : f32
    %div3A_12 = vector.broadcast %div3A : f32 to vector<632x1xf32>
    %div3A_13 = arith.divf %div3A_12, %max3A_11 : vector<632x1xf32>
    %mul3A = vector.broadcast %div3A_13 : vector<632x1xf32> to vector<632x64xf32>
    %mul3A_14 = arith.mulf %slice3A, %mul3A : vector<632x64xf32>
    %get3A_15 = arith.constant 0 : index
    %get3A_16 = arith.constant 0 : index
    %get3A_17 = vector.load %arg2[%get3A_15, %get3A_16] : memref<632x64xf32, #tpu.memory_space<vmem>>, vector<632x64xf32>
    %add3A_18 = arith.addf %mul3A_14, %get3A_17 : vector<632x64xf32>
    %max3A_19 = arith.constant 0.000000e+00 : f32
    %max3A_20 = vector.broadcast %max3A_19 : f32 to vector<632x64xf32>
    %max3A_21 = arith.maximumf %add3A_18, %max3A_20 : vector<632x64xf32>
    %swap3A = arith.constant 0 : index
    %swap3A_22 = arith.constant 0 : index
    %swap3A_23 = vector.load %arg4[%swap3A, %swap3A_22] : memref<632x64xf32, #tpu.memory_space<vmem>>, vector<632x64xf32>
    tpu.vector_store %arg4[%swap3A, %swap3A_22], %max3A_21 {strides = array<i32>} : memref<632x64xf32, #tpu.memory_space<vmem>>, vector<632x64xf32>,
    %get3A_24 = arith.constant 0 : index
    %get3A_25 = arith.constant 0 : index
    %get3A_26 = vector.load %arg3[%get3A_24, %get3A_25] : memref<64x64xf32, #tpu.memory_space<vmem>>, vector<64x64xf32>
    %dot_general3A = arith.constant dense<0.000000e+00> : vector<632x64xf32>
    %dot_general3A_27 = tpu.matmul %max3A_21, %get3A_26, %dot_general3A {dimension_numbers = #tpu.dot_dimension_numbers<[1], [0], [0], [1], [0, 0, 1, 1], [], []>, transpose_lhs_hint = false} : vector<632x64xf32>, vector<64x64xf32>, vector<632x64xf32> -> vector<632x64xf32>
    %swap3A_28 = arith.constant 0 : index
    %swap3A_29 = arith.constant 0 : index
    %swap3A_30 = vector.load %arg5[%swap3A_28, %swap3A_29] : memref<632x64xf32, #tpu.memory_space<vmem>>, vector<632x64xf32>
    tpu.vector_store %arg5[%swap3A_28, %swap3A_29], %dot_general3A_27 {strides = array<i32>} : memref<632x64xf32, #tpu.memory_space<vmem>>, vector<632x64xf32>,
    return
  }
  func.func @transform_0(%arg0: i32) -> (i32, i32, i32) {
    %c0_i32 = arith.constant 0 : i32
    %c0_i32_0 = arith.constant 0 : i32
    %c0_i32_1 = arith.constant 0 : i32
    return %c0_i32, %arg0, %c0_i32_0 : i32, i32, i32
  }
  func.func @transform_1(%arg0: i32) -> (i32, i32) {
    %c0_i32 = arith.constant 0 : i32
    %c0_i32_0 = arith.constant 0 : i32
    return %arg0, %c0_i32 : i32, i32
  }
  func.func @transform_2(%arg0: i32) -> (i32, i32) {
    %c0_i32 = arith.constant 0 : i32
    %c0_i32_0 = arith.constant 0 : i32
    %c0_i32_1 = arith.constant 0 : i32
    return %c0_i32, %c0_i32_0 : i32, i32
  }
  func.func @transform_3(%arg0: i32) -> (i32, i32) {
    %c0_i32 = arith.constant 0 : i32
    %c0_i32_0 = arith.constant 0 : i32
    return %arg0, %c0_i32 : i32, i32
  }
  func.func @transform_4(%arg0: i32) -> (i32, i32) {
    %c0_i32 = arith.constant 0 : i32
    %c0_i32_0 = arith.constant 0 : i32
    return %arg0, %c0_i32 : i32, i32
  }
}

module attributes {stable_mosaic.version = 14 : i64} {
  func.func @_proj_body(%arg0: i32, %arg1: memref<632x64xf32, #tpu.memory_space<vmem>>, %arg2: memref<64x64xf32, #tpu.memory_space<vmem>>, %arg3: memref<1x64xf32, #tpu.memory_space<vmem>>, %arg4: memref<632x64xf32, #tpu.memory_space<vmem>>) attributes {dimension_semantics = [#tpu.dimension_semantics<arbitrary>], iteration_bounds = array<i64: 16>, scalar_prefetch = 0 : i64, scratch_operands = 0 : i64, tpu.core_type = #tpu.core_type<tc>, window_params = [{transform_indices = @transform_0, window_bounds = array<i64: 632, 64>}, {pipeline_mode = #tpu.pipeline_mode<synchronous>, transform_indices = @transform_1, window_bounds = array<i64: 64, 64>}, {pipeline_mode = #tpu.pipeline_mode<synchronous>, transform_indices = @transform_2, window_bounds = array<i64: 1, 64>}, {transform_indices = @transform_3, window_bounds = array<i64: 632, 64>}]} {
    %get3A = arith.constant 0 : index
    %get3A_0 = arith.constant 0 : index
    %get3A_1 = vector.load %arg1[%get3A, %get3A_0] : memref<632x64xf32, #tpu.memory_space<vmem>>, vector<632x64xf32>
    %get3A_2 = arith.constant 0 : index
    %get3A_3 = arith.constant 0 : index
    %get3A_4 = vector.load %arg2[%get3A_2, %get3A_3] : memref<64x64xf32, #tpu.memory_space<vmem>>, vector<64x64xf32>
    %dot_general3A = arith.constant dense<0.000000e+00> : vector<632x64xf32>
    %dot_general3A_5 = tpu.matmul %get3A_1, %get3A_4, %dot_general3A {dimension_numbers = #tpu.dot_dimension_numbers<[1], [0], [0], [1], [0, 0, 1, 1], [], []>, transpose_lhs_hint = false} : vector<632x64xf32>, vector<64x64xf32>, vector<632x64xf32> -> vector<632x64xf32>
    %get3A_6 = arith.constant 0 : index
    %get3A_7 = arith.constant 0 : index
    %get3A_8 = vector.load %arg3[%get3A_6, %get3A_7] : memref<1x64xf32, #tpu.memory_space<vmem>>, vector<1x64xf32>
    %add3A = vector.broadcast %get3A_8 : vector<1x64xf32> to vector<632x64xf32>
    %add3A_9 = arith.addf %dot_general3A_5, %add3A : vector<632x64xf32>
    %swap3A = arith.constant 0 : index
    %swap3A_10 = arith.constant 0 : index
    %swap3A_11 = vector.load %arg4[%swap3A, %swap3A_10] : memref<632x64xf32, #tpu.memory_space<vmem>>, vector<632x64xf32>
    tpu.vector_store %arg4[%swap3A, %swap3A_10], %add3A_9 {strides = array<i32>} : memref<632x64xf32, #tpu.memory_space<vmem>>, vector<632x64xf32>,
    return
  }
  func.func @transform_0(%arg0: i32) -> (i32, i32) {
    %c0_i32 = arith.constant 0 : i32
    %c0_i32_0 = arith.constant 0 : i32
    return %arg0, %c0_i32 : i32, i32
  }
  func.func @transform_1(%arg0: i32) -> (i32, i32) {
    %c0_i32 = arith.constant 0 : i32
    %c0_i32_0 = arith.constant 0 : i32
    %c0_i32_1 = arith.constant 0 : i32
    return %c0_i32, %c0_i32_0 : i32, i32
  }
  func.func @transform_2(%arg0: i32) -> (i32, i32) {
    %c0_i32 = arith.constant 0 : i32
    %c0_i32_0 = arith.constant 0 : i32
    %c0_i32_1 = arith.constant 0 : i32
    return %c0_i32, %c0_i32_0 : i32, i32
  }
  func.func @transform_3(%arg0: i32) -> (i32, i32) {
    %c0_i32 = arith.constant 0 : i32
    %c0_i32_0 = arith.constant 0 : i32
    return %arg0, %c0_i32 : i32, i32
  }
}

module attributes {stable_mosaic.version = 14 : i64} {
  func.func @_tc3_body(%arg0: i32, %arg1: memref<2x1000x64xf32, #tpu.memory_space<vmem>>, %arg2: memref<2x1000x8xf32, #tpu.memory_space<vmem>>, %arg3: memref<1000x64xf32, #tpu.memory_space<vmem>>, %arg4: memref<1000x64xf32, #tpu.memory_space<vmem>>) attributes {dimension_semantics = [#tpu.dimension_semantics<arbitrary>], iteration_bounds = array<i64: 10>, scalar_prefetch = 0 : i64, scratch_operands = 0 : i64, tpu.core_type = #tpu.core_type<tc>, window_params = [{transform_indices = @transform_0, window_bounds = array<i64: 2, 1000, 64>}, {transform_indices = @transform_1, window_bounds = array<i64: 2, 1000, 8>}, {transform_indices = @transform_2, window_bounds = array<i64: 1000, 64>}, {transform_indices = @transform_3, window_bounds = array<i64: 1000, 64>}]} {
    %get3A = arith.constant 0 : index
    %get3A_0 = arith.constant 0 : index
    %get3A_1 = arith.constant 0 : index
    %get3A_2 = vector.load %arg1[%get3A, %get3A_0, %get3A_1] : memref<2x1000x64xf32, #tpu.memory_space<vmem>>, vector<1x1000x64xf32>
    %get3A_3 = vector.shape_cast %get3A_2 : vector<1x1000x64xf32> to vector<1000x64xf32>
    %get3A_4 = arith.constant 1 : index
    %get3A_5 = arith.constant 0 : index
    %get3A_6 = arith.constant 0 : index
    %get3A_7 = vector.load %arg1[%get3A_4, %get3A_5, %get3A_6] : memref<2x1000x64xf32, #tpu.memory_space<vmem>>, vector<1x1000x64xf32>
    %get3A_8 = vector.shape_cast %get3A_7 : vector<1x1000x64xf32> to vector<1000x64xf32>
    %add3A = arith.addf %get3A_3, %get3A_8 : vector<1000x64xf32>
    %get3A_9 = arith.constant 0 : index
    %get3A_10 = arith.constant 0 : index
    %get3A_11 = arith.constant 0 : index
    %get3A_12 = vector.load %arg2[%get3A_9, %get3A_10, %get3A_11] : memref<2x1000x8xf32, #tpu.memory_space<vmem>>, vector<1x1000x1xf32>
    %get3A_13 = vector.shape_cast %get3A_12 : vector<1x1000x1xf32> to vector<1000x1xf32>
    %get3A_14 = arith.constant 1 : index
    %get3A_15 = arith.constant 0 : index
    %get3A_16 = arith.constant 0 : index
    %get3A_17 = vector.load %arg2[%get3A_14, %get3A_15, %get3A_16] : memref<2x1000x8xf32, #tpu.memory_space<vmem>>, vector<1x1000x1xf32>
    %get3A_18 = vector.shape_cast %get3A_17 : vector<1x1000x1xf32> to vector<1000x1xf32>
    %add3A_19 = arith.addf %get3A_13, %get3A_18 : vector<1000x1xf32>
    %max3A = arith.constant 1.000000e+00 : f32
    %max3A_20 = vector.broadcast %max3A : f32 to vector<1000x1xf32>
    %max3A_21 = arith.maximumf %add3A_19, %max3A_20 : vector<1000x1xf32>
    %div3A = arith.constant 1.000000e+00 : f32
    %div3A_22 = vector.broadcast %div3A : f32 to vector<1000x1xf32>
    %div3A_23 = arith.divf %div3A_22, %max3A_21 : vector<1000x1xf32>
    %mul3A = vector.broadcast %div3A_23 : vector<1000x1xf32> to vector<1000x64xf32>
    %mul3A_24 = arith.mulf %add3A, %mul3A : vector<1000x64xf32>
    %get3A_25 = arith.constant 0 : index
    %get3A_26 = arith.constant 0 : index
    %get3A_27 = vector.load %arg3[%get3A_25, %get3A_26] : memref<1000x64xf32, #tpu.memory_space<vmem>>, vector<1000x64xf32>
    %add3A_28 = arith.addf %mul3A_24, %get3A_27 : vector<1000x64xf32>
    %swap3A = arith.constant 0 : index
    %swap3A_29 = arith.constant 0 : index
    %swap3A_30 = vector.load %arg4[%swap3A, %swap3A_29] : memref<1000x64xf32, #tpu.memory_space<vmem>>, vector<1000x64xf32>
    tpu.vector_store %arg4[%swap3A, %swap3A_29], %add3A_28 {strides = array<i32>} : memref<1000x64xf32, #tpu.memory_space<vmem>>, vector<1000x64xf32>,
    return
  }
  func.func @transform_0(%arg0: i32) -> (i32, i32, i32) {
    %c0_i32 = arith.constant 0 : i32
    %c0_i32_0 = arith.constant 0 : i32
    %c0_i32_1 = arith.constant 0 : i32
    return %c0_i32, %arg0, %c0_i32_0 : i32, i32, i32
  }
  func.func @transform_1(%arg0: i32) -> (i32, i32, i32) {
    %c0_i32 = arith.constant 0 : i32
    %c0_i32_0 = arith.constant 0 : i32
    %c0_i32_1 = arith.constant 0 : i32
    return %c0_i32, %arg0, %c0_i32_0 : i32, i32, i32
  }
  func.func @transform_2(%arg0: i32) -> (i32, i32) {
    %c0_i32 = arith.constant 0 : i32
    %c0_i32_0 = arith.constant 0 : i32
    return %arg0, %c0_i32 : i32, i32
  }
  func.func @transform_3(%arg0: i32) -> (i32, i32) {
    %c0_i32 = arith.constant 0 : i32
    %c0_i32_0 = arith.constant 0 : i32
    return %arg0, %c0_i32 : i32, i32
  }
}

</mosaic_0001>

<sc_bundles>
// kernel: kernel.12.cloned.1.call-start
scs
__scs_entry_jumppad:
0x0: {  	(pc) =	sbr.rel $0x88, $3  }
0x1: {  	(tag) =	ssettag $0x0;
	lr =	simm.s32 $0x1  }
0x2: {  	[smem:$0x3F99] =	sst lr;
	_ =	strace $0xD0000000  }
0x3: {  	_ = 	snop  }
0x4: {  	_ = 	snop  }
0x5: {  	_ = 	snop  }
0x6: {  	_ = 	snop  }
0x7: {  	_ = 	snop  }
__scs_overlays_trampoline_lowered:
0x8: {  	[smem:$0x3FA8] =	sst s0  }
0x9: {  	[smem:$0x3FA9] =	sst s1  }
0xa: {  	[smem:$0x3FAA] =	sst s2  }
0xb: {  	[smem:$0x3FAB] =	sst s3  }
0xc: {  	[smem:$0x3FAC] =	sst s4  }
0xd: {  	[smem:$0x3FAD] =	sst s5  }
0xe: {  	[smem:$0x3FAE] =	sst s6  }
0xf: {  	[smem:$0x3FAF] =	sst s7  }
0x10: {  	[smem:$0x3FB0] =	sst s8  }
0x11: {  	[smem:$0x3FB1] =	sst s9;
	s0 =	simm.s32 @!p0 $0x0  }
0x12: {  	s1 =	sld [smem:$0x3F97];
	s0 =	simm.s32 @p0 $0x1  }
0x13: {  	[smem:$0x3FB2] =	sst s0;
	s0 =	simm.s32 @!p1 $0x0  }
0x14: {  	s2 =	sld [smem:$0x3F96];
	s0 =	simm.s32 @p1 $0x1  }
0x15: {  	[smem:$0x3FB3] =	sst s0;
	s0 =	simm.s32 @!p2 $0x0  }
0x16: {  	s3 =	sld [smem:$0x3FDB];
	s0 =	simm.s32 @p2 $0x1  }
0x17: {  	s4 =	simm.s32 $0x1BF5;
	[smem:$0x3FB5] =	sst s0  }
0x18: {  	s0 =	sld [smem:$0x3F98];
	_ =	swait.ge [sflag:s4], $0x0  }
0x19: {  	s7 =	sld [smem:$0x3F99]  }
0x1a: {  	s8 =	sadd.s32 $0xFFFFE003, lr  }
0x1b: {  	s9 =	sadd.s32 $0xFFFFFEF7, lr;
	s5 =	simm.s32 $0xFFFFFFFF;
	p2 =	slt.u32 s8, $0xFFFFF086  }
0x1c: {  	p1 =	slt.u32 s9, $0xF7A;
	s5 =	simm.s32 @!p2 $0x0  }
0x1d: {  	s5 =	simm.s32 @p1 $0x1;
	p0 =	seq.s32 s7, s2  }
0x1e: {  	s7 =	smul.u32 @!p0 $0xF7A, s2;
	p2 =	seq.s32 @!p0 s5, $0x0  }
0x1f: {  	s9 =	smul.u32 $0xF7A, s1;
	s8 =	simm.s32 @!p0 $0x1BF5;
	p2 =	por !p2, p0  }
0x20: {  	[sflag:s8] =	ssyncset.s32 @!p0 $0xFFFFF086;
	s6 =	sadd.s32 @!p0 s3, s7;
	s7 =	simm.s32 @!p0 $0x108  }
0x21: {  	s3 =	sadd.s32 s3, s9;
	s6 =	sadd.s32 @!p0 $0x88, s6;
	s7 =	simm.s32 @p2 $0x1082  }
0x22: {  	[simem:s7], [sflag:s8] =	dma.local @!p0 [hbm:s6], $0xF7A  }
0x23: {  	s9 =	sor.u32 $0xD0000000, s2;
	s6 =	simm.s32 $0x108;
	_ =	swait.ge @!p0 [sflag:s8], $0x0  }
0x24: {  	s3 =	sadd.s32 $0x88, s3;
	s6 =	simm.s32 @!p1 $0x1082;
	[sflag:s4] =	ssyncset.s32 $0xFFFFF086  }
0x25: {  	[simem:s6], [sflag:s4] =	dma.local [hbm:s3], $0xF7A  }
0x26: {  	[smem:$0x3F99] =	sst s1;
	(tag) =	ssettag s2;
	_ =	strace s9  }
0x27: {  	s1 =	sld [smem:$0x3FA9]  }
0x28: {  	s2 =	sld [smem:$0x3FAA]  }
0x29: {  	s4 =	sld [smem:$0x3FAC]  }
0x2a: {  	p0 =	seq.s32 s5, $0x0;
	s5 =	sld [smem:$0x3FAD]  }
0x2b: {  	s6 =	sld [smem:$0x3FAE]  }
0x2c: {  	s7 =	sld [smem:$0x3FAF]  }
0x2d: {  	s3 =	simm.s32 $0x108;
	s8 =	sld [smem:$0x3FB0]  }
0x2e: {  	s3 =	simm.s32 @!p0 $0x1082;
	s9 =	sld [smem:$0x3FB1]  }
0x2f: {  	lr =	sadd.s32 s0, s3;
	s0 =	sld [smem:$0x3FA8]  }
0x30: {  	s3 =	sld [smem:$0x3FAB]  }
0x31: {  	[smem:$0x3FB4] =	sst s10  }
0x32: {  	s10 =	sld [smem:$0x3FB2];
	_ =	sdelay $0x3  }
0x33: {  	p0 =	seq.s32 s10, $0x1;
	s10 =	sld [smem:$0x3FB4];
	_ =	sdelay $0x3  }
0x34: {  	[smem:$0x3FB4] =	sst s10  }
0x35: {  	s10 =	sld [smem:$0x3FB3];
	_ =	sdelay $0x3  }
0x36: {  	p1 =	seq.s32 s10, $0x1;
	s10 =	sld [smem:$0x3FB4];
	_ =	sdelay $0x3  }
0x37: {  	[smem:$0x3FB4] =	sst s10  }
0x38: {  	s10 =	sld [smem:$0x3FB5]  }
0x39: {  	_ = 	snop;
	(pc) =	sbr.ind lr, $3  }
0x3a: {  	_ = 	snop  }
0x3b: {  	_ = 	snop  }
0x3c: {  	p2 =	seq.s32 s10, $0x1;
	s10 =	sld [smem:$0x3FB4]  }
0x3d: {  	_ =	shalt  }
0x3e: {  	_ =	shalt  }
0x3f: {  	_ =	shalt  }
0x40: {  	_ =	shalt  }
0x41: {  	_ =	shalt  }
0x42: {  	_ =	shalt  }
0x43: {  	_ =	shalt  }
0x44: {  	_ =	shalt  }
0x45: {  	_ =	shalt  }
0x46: {  	_ =	shalt  }
0x47: {  	_ =	shalt  }
0x48: {  	_ =	shalt  }
0x49: {  	_ =	shalt  }
0x4a: {  	_ =	shalt  }
0x4b: {  	_ =	shalt  }
0x4c: {  	_ =	shalt  }
0x4d: {  	_ =	shalt  }
0x4e: {  	_ =	shalt  }
0x4f: {  	_ =	shalt  }
0x50: {  	_ =	shalt  }
0x51: {  	_ =	shalt  }
0x52: {  	_ =	shalt  }
0x53: {  	_ =	shalt  }
0x54: {  	_ =	shalt  }
0x55: {  	_ =	shalt  }
0x56: {  	_ =	shalt  }
0x57: {  	_ =	shalt  }
0x58: {  	_ =	shalt  }
0x59: {  	_ =	shalt  }
0x5a: {  	_ =	shalt  }
0x5b: {  	_ =	shalt  }
0x5c: {  	_ =	shalt  }
0x5d: {  	_ =	shalt  }
0x5e: {  	_ =	shalt  }
0x5f: {  	_ =	shalt  }
0x60: {  	_ =	shalt  }
0x61: {  	_ =	shalt  }
0x62: {  	_ =	shalt  }
0x63: {  	_ =	shalt  }
0x64: {  	_ =	shalt  }
0x65: {  	_ =	shalt  }
0x66: {  	_ =	shalt  }
0x67: {  	_ =	shalt  }
0x68: {  	_ =	shalt  }
0x69: {  	_ =	shalt  }
0x6a: {  	_ =	shalt  }
0x6b: {  	_ =	shalt  }
0x6c: {  	_ =	shalt  }
0x6d: {  	_ =	shalt  }
0x6e: {  	_ =	shalt  }
0x6f: {  	_ =	shalt  }
0x70: {  	_ =	shalt  }
0x71: {  	_ =	shalt  }
0x72: {  	_ =	shalt  }
0x73: {  	_ =	shalt  }
0x74: {  	_ =	shalt  }
0x75: {  	_ =	shalt  }
0x76: {  	_ =	shalt  }
0x77: {  	_ =	shalt  }
0x78: {  	_ =	shalt  }
0x79: {  	_ =	shalt  }
0x7a: {  	_ =	shalt  }
0x7b: {  	_ =	shalt  }
0x7c: {  	_ =	shalt  }
0x7d: {  	_ =	shalt  }
0x7e: {  	_ =	shalt  }
0x7f: {  	_ =	shalt  }
0x80: {  	_ =	shalt  }
0x81: {  	_ =	shalt  }
0x82: {  	_ =	shalt  }
0x83: {  	_ =	shalt  }
0x84: {  	_ =	shalt  }
0x85: {  	_ =	shalt  }
0x86: {  	_ =	shalt  }
0x87: {  	_ =	shalt  }
.Lfunc_end0:
.L_simem_size_0:
called_computation.1_lowered:
.L_overlay_start_0:
0x88: {  	s2 =	sld [smem:$0x3FD9]  }
0x89: {  	s3 =	sld [smem:$0x3FFE];
	_ =	sdelay $0x1  }
0x8a: {  	s1 =	srdreg.scid  }
0x8b: {  	s0 =	sand.u32 $0x1, s1  }
0x8c: {  	s17 =	sshll.u32 s0, $0xA;
	s2 =	sadd.s32 s3, s2  }
0x8d: {  	s2 =	sadd.s32 s2, s17  }
0x8e: {  	[smem:$0x3FC0] =	sst s2  }
0x8f: {  	_ = 	snop  }
0x90: {  	s2 =	sld [smem:$0x3FD0];
	(tm) =	ssettm $0x1  }
0x91: {  	s18 =	sld [smem:$0x3FFB];
	_ =	sdelay $0x3  }
0x92: {  	_ =	strace s18  }
0x93: {  	s3 =	sld [smem:$0x3FFC];
	_ =	sdelay $0x3  }
0x94: {  	_ =	strace s3  }
0x95: {  	s3 =	sld [smem:$0x3FFD];
	_ =	sdelay $0x3  }
0x96: {  	_ =	strace s3  }
0x97: {  	_ =	strace $0x8FFFFFFF  }
0x98: {  	s19 =	sld [smem:$0x3FDB];
	_ =	sdelay $0x1  }
0x99: {  	s4 =	simm.s32 $_scs_section_size  }
0x9a: {  	s5 =	simm.s32 $_size__tile_overlayer_lowered;
	s6 =	simm.s32 $_tile_overlayer_lowered  }
0x9b: {  	s22 =	simm.s32 $0x1BFF;
	s21 =	sshll.u32 s6, $0x1;
	s3 =	sadd.s32 s4, s19  }
0x9c: {  	s7 =	simm.s32 $0x0;
	s20 =	sshll.u32 s5, $0x1;
	s5 =	sadd.s32 s21, s3  }
0x9d: {  	[timem:s7], [sflag:s22] =	dma.local [hbm:s5], s20  }
0x9e: {  	_ =	swait.ge [sflag:s22], s20  }
0x9f: {  	s4 =	ssub.s32 $0x0, s20;
	[sflag:s22] =	ssyncset.done $0x0  }
0xa0: {  	[sflag:s22] =	ssyncadd.s32 s4;
	_ =	sdelay $0x1  }
0xa1: {  	s23 =	simm.s32 $0x1B8B  }
0xa2: {  	_ =	swait.ge [sflag:s23], $0x1  }
0xa3: {  	[sflag:s23] =	ssyncset.done $0x0  }
0xa4: {  	s25 =	simm.s32 $0x1B8E;
	s24 =	sld [smem:$0x3FFE];
	[sflag:s23] =	ssyncadd.s32 $0xFFFFFFFF  }
0xa5: {  	s26 =	simm.s32 $execute0_lowered;
	[smem:$0x3FD2] =	sst s25  }
0xa6: {  	s5 =	sshll.u32 s26, $0x1;
	_ =	strace $0x80000049;
	[dreg:$0x1] =	wrdreg $0xFFFFFFFF  }
0xa7: {  	s28 =	simm.s32 $_size_execute0_lowered;
	s3 =	sadd.s32 s3, s5;
	[dreg:$0x0] =	wrdreg $0x0  }
0xa8: {  	s5 =	sshll.u32 s28, $0x1;
	[dreg:$0x2] =	wrdreg s3  }
0xa9: {  	[dreg:$0x3] =	wrdreg s5  }
0xaa: {  	[dreg:$0x4] =	wrdreg $0xC0  }
0xab: {  	_ =	task [dreg:s7], $0x5FFFF  }
0xac: {  	[dreg:$0x1] =	wrdreg $0xFFFFFFFF  }
0xad: {  	[dreg:$0x0] =	wrdreg $0x60  }
0xae: {  	[dreg:$0x2] =	wrdreg s2  }
0xaf: {  	[dreg:$0x3] =	wrdreg s24  }
0xb0: {  	[dreg:$0x4] =	wrdreg $0x8F000  }
0xb1: {  	[dreg:$0x5] =	wrdreg $0x12D000  }
0xb2: {  	[dreg:$0x6] =	wrdreg $0x9  }
0xb3: {  	_ =	task.clear_ibuf [dreg:s7], $0x7FFFF;
	_ =	strace $0x90000049  }
0xb4: {  	s29 =	simm.s32 $0x9;
	_ =	strace $0x8000004B  }
0xb5: {  	_ =	swait.ge [sflag:s29], $0x1  }
0xb6: {  	[sflag:s29] =	ssyncadd.s32 $0xFFFFFFFF  }
0xb7: {  	_ =	strace $0x9000004B  }
0xb8: {  	_ =	sfence  }
0xb9: {  	s30 =	sld [smem:$0x0];
	_ =	sdelay $0x2  }
0xba: {  	s31 =	sshll.u32 s1, $0xD;
	s1 =	sshrl.u32 s1, $0x2  }
0xbb: {  	s3 =	sand.u32 $0x4000, s31;
	s1 =	sadd.s32 s1, s30  }
0xbc: {  	s0 =	sor.u32 s3, s0;
	s1 =	sshll.u32 s1, $0x11  }
0xbd: {  	s0 =	sor.u32 s1, s0  }
0xbe: {  	s0 =	sadd.s32 $0x8F2B, s0  }
0xbf: {  	[sflag:s0] =	ssyncadd.remote.s32 $0x1  }
0xc0: {  	_ =	sfence.sel $0xFFFF  }
0xc1: {  	[dreg:$0x0] =	wrdreg $0xFFFFFFFF;
	(pc) =	sbr.abs _section_cstart, $3  }
0xc2: {  	[dreg:$0x1] =	wrdreg $0xFFFFFFFF  }
0xc3: {  	_ =	task.clear_ibuf [dreg:s7], $0x2FFFF;
	_ =	strace $0x9FFFFFFF  }
0xc4: {  	(tm) =	ssettm $0x7FFFFFFF  }
0xc5: {  	_ =	shalt  }
tec
execute0_lowered:
.L_overlay_start_1:
0x0: {  	(tag) =	ssettag $0x1  }
0x1: {  	s0 =	rddreg [dreg:$0x0]  }
0x2: {  	s1 =	rddreg [dreg:$0x1]  }
0x3: {  	s2 =	rddreg [dreg:$0x2]  }
0x4: {  	s3 =	rddreg [dreg:$0x3]  }
0x5: {  	s16 =	stileid.u32;
	s5 =	srdreg.scid  }
0x6: {  	s4 =	simm.s32 $0x0;
	s19 =	simm.s32 $0x2700;
	s20 =	simm.s32 $0x80  }
0x7: {  	s21 =	simm.s32 $0x4F00;
	s28 =	simm.s32 $0x4C80;
	s29 =	simm.s32 $0x2680  }
0x8: {  	s30 =	simm.s32 $0x4D00;
	s31 =	simm.s32 $0x4D80;
	s5 =	sand.u32 $0x1, s5  }
0x9: {  	s7 =	smul.u32 $0x9E00, s16;
	[smem:$0x7FF] =	sst s4;
	s10 =	sadd.s32 $0xBA00, s1  }
0xa: {  	s8 =	smul.u32 $0x1638, s16;
	s11 =	sadd.s32 $0x1C00, s1;
	s23 =	sshll.u32 s16, $0x6  }
0xb: {  	s26 =	sshll.u32 s16, $0x4;
	s6 =	smul.u32 $0x9E000, s5;
	_ =	strace $0x8000004A  }
0xc: {  	s9 =	ssub.s32 $0x2, s5;
	s5 =	sshll.u32 s5, $0x4;
	s8 =	sadd.s32 s8, s1  }
0xd: {  	s12 =	sshrl.u32 s9, $0x1;
	s14 =	sor.u32 s16, s5;
	s15 =	sadd.s32 s7, s2  }
0xe: {  	s22 =	sshrl.u32 s7, $0x3;
	s25 =	sadd.s32 s7, s3;
	s16 =	simm.s32 $0x1  }
0xf: {  	s6 =	sadd.s32 s7, s6;
	s13 =	ssub.s32 s9, s12;
	s5 =	sadd.s32 s0, s22  }
0x10: {  	s24 =	smul.u32 $0x4E0, s14;
	s7 =	sadd.s32 $0x2BC00, s8;
	s12 =	sor.u32 $0x9C00, s26  }
0x11: {  	p0 =	sgt.u32 s14, $0x3;
	s14 =	sshrl.u32 s15, $0x3;
	s15 =	sshrl.u32 s25, $0x3  }
0x12: {  	s22 =	simm.s32 $0x6F00;
	s25 =	simm.s32 $0x4C00;
	s26 =	simm.s32 $0x2600  }
0x13: {  	s0 =	simm.s32 $0x0;
	s6 =	sshrl.u32 s6, $0x3;
	s13 =	smax.u32 s13, $0x1  }
0x14: {  	s1 =	sadd.s32 s6, s1;
	s6 =	sor.u32 $0x1C01, s23;
	s8 =	sadd.s32 s10, s24  }
0x15: {  	s9 =	sadd.s32 s11, s24;
	s10 =	sadd.s32 s10, s12;
	s11 =	sadd.s32 s11, s12  }
0x16: {  	s23 =	simm.s32 $0x3;
	s24 =	simm.s32 $0x2;
	s12 =	sadd.s32 $0x42000, s1  }
.LBB2_1:
0x17: {  	[spmem:s14], [sflag:s6] =	dma.local [hbm:s5], $0x13C0  }
0x18: {  	s1 =	simm.s32 $0x8;
	s17 =	simm.s32 $0x9  }
0x19: {  	[spmem:s15@s1], [sflag:s6] =	dma.strided [hbm:s7@s17], $0x13C0, s16, $0x8   }
0x1a: {  	[tilespmem:s4], [sflag:$0x1] =	stream.linear.gather [hbm4b:s8+s4], $0x2700, $0x38;
	[tilespmem:$0x1CB00] =	vst v63  }
0x1b: {  	_ = 	snop  }
0x1c: {  	[tilespmem:s19], [sflag:$0x1] =	stream.linear.gather [hbm4b:s9+s4], $0x2700, $0x38;
	[tilespmem:$0x1CB00] =	vst v63  }
0x1d: {  	_ =	swait.ge [sflag:s16], $0x13C0  }
0x1e: {  	[sflag:s16] =	ssyncset.done $0x0  }
0x1f: {  	[sflag:s16] =	ssyncadd.s32 $0xFFFFEC40  }
0x20: {  	_ =	swait.ge [sflag:s16], $0x13C0  }
0x21: {  	[sflag:s16] =	ssyncset.done $0x0  }
0x22: {  	[sflag:s16] =	ssyncadd.s32 $0xFFFFEC40  }
0x23: {  	_ =	swait.ge [sflag:s16], $0x2700  }
0x24: {  	[sflag:s16] =	ssyncset.done $0x0  }
0x25: {  	[sflag:s16] =	ssyncadd.s32 $0xFFFFD900  }
0x26: {  	_ =	swait.ge [sflag:s16], $0x2700  }
0x27: {  	[sflag:s16] =	ssyncset.done $0x0  }
0x28: {  	s1 =	simm.s32 @!p0 $0x0;
	s17 =	simm.s32 @!p0 $0x4E00;
	[sflag:s16] =	ssyncadd.s32 $0xFFFFD900  }
0x29: {  	[tilespmem:s17], [sflag:$0x1] =	stream.linear.gather @!p0 [hbm4b:s10+s1], $0x80, $0x38;
	[tilespmem:$0x1CB00] =	vst v63  }
0x2a: {  	s17 =	simm.s32 @!p0 $0x4E80  }
0x2b: {  	[tilespmem:s17], [sflag:$0x1] =	stream.linear.gather @!p0 [hbm4b:s11+s1], $0x80, $0x38;
	[tilespmem:$0x1CB00] =	vst v63  }
0x2c: {  	s1 =	simm.s32 @!p0 $0x1  }
0x2d: {  	_ =	swait.ge @!p0 [sflag:s1], $0x80  }
0x2e: {  	[sflag:s1] =	ssyncset.done @!p0 $0x0  }
0x2f: {  	[sflag:s1] =	ssyncadd.s32 @!p0 $0xFFFFFF80  }
0x30: {  	_ =	swait.ge @!p0 [sflag:s1], $0x80  }
0x31: {  	[sflag:s1] =	ssyncset.done @!p0 $0x0  }
0x32: {  	[sflag:s1] =	ssyncadd.s32 @!p0 $0xFFFFFF80  }
0x33: {  	[bflag:$0x0] =	sbarrier.arrive $0xFFFF  }
0x34: {  	[tilespmem:s21], [sflag:$0x1] =	stream.indirect.gather [spmem:s2], $0x40, s4, s20, $0xb8;
	[tilespmem:$0x1CB00] =	vst v63  }
0x35: {  	_ = 	snop  }
0x36: {  	[tilespmem:s22], [sflag:$0x2] =	stream.indirect.gather [spmem:s2], $0x40, s20, s20, $0xb8;
	[tilespmem:$0x1CB00] =	vst v63  }
0x37: {  	_ =	swait.ge [sflag:s16], $0x2000  }
0x38: {  	[sflag:s16] =	ssyncset.done $0x0  }
0x39: {  	s18 =	simm.s32 $0x2700;
	[sflag:s16] =	ssyncadd.s32 $0xFFFFE000  }
0x3a: {  	[spmem:s3] =	stream.indirect.scatter.add.f32 [tilespmem:s21], [sflag:$0x3], $0x40, s18, s20, $0xb8;
	[tilespmem:$0x1CB00] =	vst v63  }
0x3b: {  	_ =	swait.ge [sflag:s23], $0x2000  }
0x3c: {  	[sflag:s23] =	ssyncset.done $0x0  }
0x3d: {  	s17 =	simm.s32 $0x100;
	[sflag:s23] =	ssyncadd.s32 $0xFFFFE000  }
0x3e: {  	[tilespmem:s21], [sflag:$0x1] =	stream.indirect.gather [spmem:s2], $0x40, s17, s20, $0xb8;
	[tilespmem:$0x1CB00] =	vst v63  }
0x3f: {  	_ =	swait.ge [sflag:s24], $0x2000  }
0x40: {  	[sflag:s24] =	ssyncset.done $0x0  }
0x41: {  	s18 =	simm.s32 $0x2780;
	[sflag:s24] =	ssyncadd.s32 $0xFFFFE000  }
0x42: {  	[spmem:s3] =	stream.indirect.scatter.add.f32 [tilespmem:s22], [sflag:$0x3], $0x40, s18, s20, $0xb8;
	[tilespmem:$0x1CB00] =	vst v63  }
0x43: {  	_ =	swait.ge [sflag:s23], $0x2000  }
0x44: {  	[sflag:s23] =	ssyncset.done $0x0  }
0x45: {  	s1 =	simm.s32 $0x400;
	s17 =	simm.s32 $0x180;
	[sflag:s23] =	ssyncadd.s32 $0xFFFFE000  }
.LBB2_2:
0x46: {  	[tilespmem:s22], [sflag:$0x2] =	stream.indirect.gather [spmem:s2], $0x40, s17, s20, $0xb8;
	[tilespmem:$0x1CB00] =	vst v63  }
0x47: {  	s17 =	smov.u32 s1  }
0x48: {  	p1 =	sne.s32 s1, $0x9000;
	s1 =	sadd.s32 $0x400, s1;
	_ =	swait.ge [sflag:s16], $0x2000  }
0x49: {  	s17 =	sshra.s32 s17, $0x2;
	[sflag:s16] =	ssyncset.done $0x0  }
0x4a: {  	s18 =	sadd.s32 $0x2700, s17;
	[sflag:s16] =	ssyncadd.s32 $0xFFFFE000  }
0x4b: {  	[spmem:s3] =	stream.indirect.scatter.add.f32 [tilespmem:s21], [sflag:$0x3], $0x40, s18, s20, $0xb8;
	[tilespmem:$0x1CB00] =	vst v63  }
0x4c: {  	_ =	swait.ge [sflag:s23], $0x2000  }
0x4d: {  	[sflag:s23] =	ssyncset.done $0x0  }
0x4e: {  	s18 =	sadd.s32 $0x100, s17;
	[sflag:s23] =	ssyncadd.s32 $0xFFFFE000  }
0x4f: {  	[tilespmem:s21], [sflag:$0x1] =	stream.indirect.gather [spmem:s2], $0x40, s18, s20, $0xb8;
	[tilespmem:$0x1CB00] =	vst v63  }
0x50: {  	_ =	swait.ge [sflag:s24], $0x2000  }
0x51: {  	[sflag:s24] =	ssyncset.done $0x0  }
.Ltmp0:
0x52: {  	s18 =	sadd.s32 $0x2780, s17;
	[sflag:s24] =	ssyncadd.s32 $0xFFFFE000;
	(pc) =	sbr.rel @p1 .LBB2_2-.Ltmp0, $4  }
0x53: {  	[spmem:s3] =	stream.indirect.scatter.add.f32 [tilespmem:s22], [sflag:$0x3], $0x40, s18, s20, $0xb8;
	[tilespmem:$0x1CB00] =	vst v63  }
0x54: {  	_ =	swait.ge [sflag:s23], $0x2000  }
0x55: {  	[sflag:s23] =	ssyncset.done $0x0  }
0x56: {  	s17 =	sadd.s32 $0x180, s17;
	[sflag:s23] =	ssyncadd.s32 $0xFFFFE000  }
0x57: {  	[tilespmem:s22], [sflag:$0x2] =	stream.indirect.gather [spmem:s2], $0x40, s17, s20, $0xb8;
	[tilespmem:$0x1CB00] =	vst v63  }
0x58: {  	_ =	swait.ge [sflag:s16], $0x2000  }
0x59: {  	[sflag:s16] =	ssyncset.done $0x0  }
0x5a: {  	[sflag:s16] =	ssyncadd.s32 $0xFFFFE000  }
0x5b: {  	[spmem:s3] =	stream.indirect.scatter.add.f32 [tilespmem:s21], [sflag:$0x3], $0x40, s25, s20, $0xb8;
	[tilespmem:$0x1CB00] =	vst v63  }
0x5c: {  	_ =	swait.ge [sflag:s23], $0x2000  }
0x5d: {  	[sflag:s23] =	ssyncset.done $0x0  }
0x5e: {  	[sflag:s23] =	ssyncadd.s32 $0xFFFFE000  }
0x5f: {  	[tilespmem:s21], [sflag:$0x1] =	stream.indirect.gather [spmem:s2], $0x40, s26, s20, $0xb8;
	[tilespmem:$0x1CB00] =	vst v63  }
0x60: {  	_ =	swait.ge [sflag:s24], $0x2000  }
0x61: {  	[sflag:s24] =	ssyncset.done $0x0  }
0x62: {  	[sflag:s24] =	ssyncadd.s32 $0xFFFFE000  }
0x63: {  	[spmem:s3] =	stream.indirect.scatter.add.f32 [tilespmem:s22], [sflag:$0x3], $0x40, s28, s20, $0xb8;
	[tilespmem:$0x1CB00] =	vst v63  }
0x64: {  	_ =	swait.ge [sflag:s23], $0x2000  }
0x65: {  	[sflag:s23] =	ssyncset.done $0x0  }
0x66: {  	[sflag:s23] =	ssyncadd.s32 $0xFFFFE000  }
0x67: {  	[tilespmem:s22], [sflag:$0x2] =	stream.indirect.gather [spmem:s2], $0x40, s29, s20, $0xb8;
	[tilespmem:$0x1CB00] =	vst v63  }
0x68: {  	_ =	swait.ge [sflag:s16], $0x2000  }
0x69: {  	[sflag:s16] =	ssyncset.done $0x0  }
0x6a: {  	[sflag:s16] =	ssyncadd.s32 $0xFFFFE000  }
0x6b: {  	[spmem:s3] =	stream.indirect.scatter.add.f32 [tilespmem:s21], [sflag:$0x3], $0x40, s30, s20, $0xb8;
	[tilespmem:$0x1CB00] =	vst v63  }
0x6c: {  	_ =	swait.ge [sflag:s23], $0x2000  }
0x6d: {  	[sflag:s23] =	ssyncset.done $0x0  }
0x6e: {  	[sflag:s23] =	ssyncadd.s32 $0xFFFFE000  }
0x6f: {  	[tilespmem:s21], [sflag:$0x1] =	stream.indirect.gather [spmem:s2], $0x40, s29, s20, $0xb8;
	[tilespmem:$0x1CB00] =	vst v63  }
0x70: {  	_ =	swait.ge [sflag:s24], $0x2000  }
0x71: {  	[sflag:s24] =	ssyncset.done $0x0  }
0x72: {  	[sflag:s24] =	ssyncadd.s32 $0xFFFFE000  }
0x73: {  	[spmem:s3] =	stream.indirect.scatter.add.f32 [tilespmem:s22], [sflag:$0x3], $0x40, s31, s20, $0xb8;
	[tilespmem:$0x1CB00] =	vst v63  }
0x74: {  	_ =	swait.ge [sflag:s23], $0x2000  }
0x75: {  	[sflag:s23] =	ssyncset.done $0x0  }
0x76: {  	[sflag:s23] =	ssyncadd.s32 $0xFFFFE000  }
0x77: {  	[tilespmem:s22], [sflag:$0x2] =	stream.indirect.gather [spmem:s2], $0x40, s29, s20, $0xb8;
	[tilespmem:$0x1CB00] =	vst v63  }
0x78: {  	_ =	swait.ge [sflag:s16], $0x2000  }
0x79: {  	[sflag:s16] =	ssyncset.done $0x0  }
0x7a: {  	[sflag:s16] =	ssyncadd.s32 $0xFFFFE000  }
0x7b: {  	_ =	swait.ge [sflag:s24], $0x2000  }
0x7c: {  	s1 =	simm.s32 @!p0 $0x80;
	[sflag:s24] =	ssyncset.done $0x0  }
0x7d: {  	s17 =	simm.s32 @!p0 $0x4E00;
	s18 =	simm.s32 @!p0 $0x4F00;
	[sflag:s24] =	ssyncadd.s32 $0xFFFFE000  }
0x7e: {  	[tilespmem:s18], [sflag:$0x1] =	stream.indirect.gather @!p0 [spmem:s2], $0x40, s17, s1, $0xb8;
	[tilespmem:$0x1CB00] =	vst v63  }
0x7f: {  	s17 =	simm.s32 @!p0 $0x1  }
0x80: {  	_ =	swait.ge @!p0 [sflag:s17], $0x2000  }
0x81: {  	[sflag:s17] =	ssyncset.done @!p0 $0x0  }
0x82: {  	[sflag:s17] =	ssyncadd.s32 @!p0 $0xFFFFE000;
	s17 =	simm.s32 @!p0 $0x4E80  }
0x83: {  	[spmem:s3] =	stream.indirect.scatter.add.f32 @!p0 [tilespmem:s18], [sflag:$0x3], $0x40, s17, s1, $0xb8;
	[tilespmem:$0x1CB00] =	vst v63  }
0x84: {  	s1 =	simm.s32 @!p0 $0x3  }
0x85: {  	_ =	swait.ge @!p0 [sflag:s1], $0x2000  }
0x86: {  	s0 =	sadd.s32 $0x1, s0;
	[sflag:s1] =	ssyncset.done @!p0 $0x0  }
0x87: {  	p1 =	sne.s32 s0, s13;
	[sflag:s1] =	ssyncadd.s32 @!p0 $0xFFFFE000  }
.Ltmp1:
0x88: {  	[bflag:$0x0] =	sbarrier.arrive $0xFFFF;
	(pc) =	sbr.rel @p1 .LBB2_1-.Ltmp1, $4  }
0x89: {  	[hbm:s12], [sflag:s6] =	dma.local [spmem:s15], $0x13C0  }
0x8a: {  	_ =	swait.ge [sflag:s16], $0x13C0  }
0x8b: {  	[sflag:s16] =	ssyncset.done $0x0  }
0x8c: {  	[sflag:s16] =	ssyncadd.s32 $0xFFFFEC40  }
0x8d: {  	_ =	sfence.sel $0x180000  }
0x8e: {  	[bflag:$0x0] =	sbarrier.arrive $0xFFFF  }
0x8f: {  	_ =	strace $0x9000004A  }
0x90: {  	s0 =	stileid.u32;
	[bflag:$0x2] =	sbarrier.arrive $0xFFFF  }
0x91: {  	p0 =	sne.s32 s0, $0x0;
	s0 =	rddreg [dreg:$0x4]  }
0x92: {  	s0 =	sadd.s32 @!p0 $0x100000, s0  }
0x93: {  	[sflag:s0] =	ssyncadd.tile.s32 @!p0 $0x1;
	_ =	shalt  }
.Lfunc_end2:
_tile_overlayer_lowered:
.L_overlay_start_2:
0x94: {  	(tag) =	ssettag $0x2  }
0x95: {  	s0 =	rddreg [dreg:$0x0];
	s2 =	stileid.u32  }
0x96: {  	s1 =	rddreg [dreg:$0x1];
	p0 =	sne.s32 s2, $0x0  }
0x97: {  	s3 =	rddreg [dreg:$0x2];
	[bflag:$0x3] =	sbarrier.arrive $0xFFFF;
	s2 =	simm.s32 @!p0 $0x1C03  }
0x98: {  	[timem:s3], [sflag:s2] =	dma.local @!p0 [hbm:s0], s1  }
0x99: {  	s0 =	simm.s32 @!p0 $0x3  }
0x9a: {  	_ =	swait.ge @!p0 [sflag:s0], s1  }
0x9b: {  	s1 =	ssub.s32 @!p0 $0x0, s1;
	[sflag:s0] =	ssyncset.done @!p0 $0x0  }
0x9c: {  	[sflag:s0] =	ssyncadd.s32 @!p0 s1  }
0x9d: {  	[bflag:$0x3] =	sbarrier.arrive $0xFFFF  }
0x9e: {  	_ =	shalt  }

// kernel: kernel.9.cloned.1.call-start
scs
__scs_entry_jumppad:
0x0: {  	(pc) =	sbr.rel $0x88, $3  }
0x1: {  	(tag) =	ssettag $0x0;
	lr =	simm.s32 $0x1  }
0x2: {  	[smem:$0x3F99] =	sst lr;
	_ =	strace $0xD0000000  }
0x3: {  	_ = 	snop  }
0x4: {  	_ = 	snop  }
0x5: {  	_ = 	snop  }
0x6: {  	_ = 	snop  }
0x7: {  	_ = 	snop  }
__scs_overlays_trampoline_lowered:
0x8: {  	[smem:$0x3FA8] =	sst s0  }
0x9: {  	[smem:$0x3FA9] =	sst s1  }
0xa: {  	[smem:$0x3FAA] =	sst s2  }
0xb: {  	[smem:$0x3FAB] =	sst s3  }
0xc: {  	[smem:$0x3FAC] =	sst s4  }
0xd: {  	[smem:$0x3FAD] =	sst s5  }
0xe: {  	[smem:$0x3FAE] =	sst s6  }
0xf: {  	[smem:$0x3FAF] =	sst s7  }
0x10: {  	[smem:$0x3FB0] =	sst s8  }
0x11: {  	[smem:$0x3FB1] =	sst s9;
	s0 =	simm.s32 @!p0 $0x0  }
0x12: {  	s1 =	sld [smem:$0x3F97];
	s0 =	simm.s32 @p0 $0x1  }
0x13: {  	[smem:$0x3FB2] =	sst s0;
	s0 =	simm.s32 @!p1 $0x0  }
0x14: {  	s2 =	sld [smem:$0x3F96];
	s0 =	simm.s32 @p1 $0x1  }
0x15: {  	[smem:$0x3FB3] =	sst s0;
	s0 =	simm.s32 @!p2 $0x0  }
0x16: {  	s3 =	sld [smem:$0x3FDB];
	s0 =	simm.s32 @p2 $0x1  }
0x17: {  	s4 =	simm.s32 $0x1BF5;
	[smem:$0x3FB5] =	sst s0  }
0x18: {  	s0 =	sld [smem:$0x3F98];
	_ =	swait.ge [sflag:s4], $0x0  }
0x19: {  	s7 =	sld [smem:$0x3F99]  }
0x1a: {  	s8 =	sadd.s32 $0xFFFFE003, lr  }
0x1b: {  	s9 =	sadd.s32 $0xFFFFFEF7, lr;
	s5 =	simm.s32 $0xFFFFFFFF;
	p2 =	slt.u32 s8, $0xFFFFF086  }
0x1c: {  	p1 =	slt.u32 s9, $0xF7A;
	s5 =	simm.s32 @!p2 $0x0  }
0x1d: {  	s5 =	simm.s32 @p1 $0x1;
	p0 =	seq.s32 s7, s2  }
0x1e: {  	s7 =	smul.u32 @!p0 $0xF7A, s2;
	p2 =	seq.s32 @!p0 s5, $0x0  }
0x1f: {  	s9 =	smul.u32 $0xF7A, s1;
	s8 =	simm.s32 @!p0 $0x1BF5;
	p2 =	por !p2, p0  }
0x20: {  	[sflag:s8] =	ssyncset.s32 @!p0 $0xFFFFF086;
	s6 =	sadd.s32 @!p0 s3, s7;
	s7 =	simm.s32 @!p0 $0x108  }
0x21: {  	s3 =	sadd.s32 s3, s9;
	s6 =	sadd.s32 @!p0 $0x88, s6;
	s7 =	simm.s32 @p2 $0x1082  }
0x22: {  	[simem:s7], [sflag:s8] =	dma.local @!p0 [hbm:s6], $0xF7A  }
0x23: {  	s9 =	sor.u32 $0xD0000000, s2;
	s6 =	simm.s32 $0x108;
	_ =	swait.ge @!p0 [sflag:s8], $0x0  }
0x24: {  	s3 =	sadd.s32 $0x88, s3;
	s6 =	simm.s32 @!p1 $0x1082;
	[sflag:s4] =	ssyncset.s32 $0xFFFFF086  }
0x25: {  	[simem:s6], [sflag:s4] =	dma.local [hbm:s3], $0xF7A  }
0x26: {  	[smem:$0x3F99] =	sst s1;
	(tag) =	ssettag s2;
	_ =	strace s9  }
0x27: {  	s1 =	sld [smem:$0x3FA9]  }
0x28: {  	s2 =	sld [smem:$0x3FAA]  }
0x29: {  	s4 =	sld [smem:$0x3FAC]  }
0x2a: {  	p0 =	seq.s32 s5, $0x0;
	s5 =	sld [smem:$0x3FAD]  }
0x2b: {  	s6 =	sld [smem:$0x3FAE]  }
0x2c: {  	s7 =	sld [smem:$0x3FAF]  }
0x2d: {  	s3 =	simm.s32 $0x108;
	s8 =	sld [smem:$0x3FB0]  }
0x2e: {  	s3 =	simm.s32 @!p0 $0x1082;
	s9 =	sld [smem:$0x3FB1]  }
0x2f: {  	lr =	sadd.s32 s0, s3;
	s0 =	sld [smem:$0x3FA8]  }
0x30: {  	s3 =	sld [smem:$0x3FAB]  }
0x31: {  	[smem:$0x3FB4] =	sst s10  }
0x32: {  	s10 =	sld [smem:$0x3FB2];
	_ =	sdelay $0x3  }
0x33: {  	p0 =	seq.s32 s10, $0x1;
	s10 =	sld [smem:$0x3FB4];
	_ =	sdelay $0x3  }
0x34: {  	[smem:$0x3FB4] =	sst s10  }
0x35: {  	s10 =	sld [smem:$0x3FB3];
	_ =	sdelay $0x3  }
0x36: {  	p1 =	seq.s32 s10, $0x1;
	s10 =	sld [smem:$0x3FB4];
	_ =	sdelay $0x3  }
0x37: {  	[smem:$0x3FB4] =	sst s10  }
0x38: {  	s10 =	sld [smem:$0x3FB5]  }
0x39: {  	_ = 	snop;
	(pc) =	sbr.ind lr, $3  }
0x3a: {  	_ = 	snop  }
0x3b: {  	_ = 	snop  }
0x3c: {  	p2 =	seq.s32 s10, $0x1;
	s10 =	sld [smem:$0x3FB4]  }
0x3d: {  	_ =	shalt  }
0x3e: {  	_ =	shalt  }
0x3f: {  	_ =	shalt  }
0x40: {  	_ =	shalt  }
0x41: {  	_ =	shalt  }
0x42: {  	_ =	shalt  }
0x43: {  	_ =	shalt  }
0x44: {  	_ =	shalt  }
0x45: {  	_ =	shalt  }
0x46: {  	_ =	shalt  }
0x47: {  	_ =	shalt  }
0x48: {  	_ =	shalt  }
0x49: {  	_ =	shalt  }
0x4a: {  	_ =	shalt  }
0x4b: {  	_ =	shalt  }
0x4c: {  	_ =	shalt  }
0x4d: {  	_ =	shalt  }
0x4e: {  	_ =	shalt  }
0x4f: {  	_ =	shalt  }
0x50: {  	_ =	shalt  }
0x51: {  	_ =	shalt  }
0x52: {  	_ =	shalt  }
0x53: {  	_ =	shalt  }
0x54: {  	_ =	shalt  }
0x55: {  	_ =	shalt  }
0x56: {  	_ =	shalt  }
0x57: {  	_ =	shalt  }
0x58: {  	_ =	shalt  }
0x59: {  	_ =	shalt  }
0x5a: {  	_ =	shalt  }
0x5b: {  	_ =	shalt  }
0x5c: {  	_ =	shalt  }
0x5d: {  	_ =	shalt  }
0x5e: {  	_ =	shalt  }
0x5f: {  	_ =	shalt  }
0x60: {  	_ =	shalt  }
0x61: {  	_ =	shalt  }
0x62: {  	_ =	shalt  }
0x63: {  	_ =	shalt  }
0x64: {  	_ =	shalt  }
0x65: {  	_ =	shalt  }
0x66: {  	_ =	shalt  }
0x67: {  	_ =	shalt  }
0x68: {  	_ =	shalt  }
0x69: {  	_ =	shalt  }
0x6a: {  	_ =	shalt  }
0x6b: {  	_ =	shalt  }
0x6c: {  	_ =	shalt  }
0x6d: {  	_ =	shalt  }
0x6e: {  	_ =	shalt  }
0x6f: {  	_ =	shalt  }
0x70: {  	_ =	shalt  }
0x71: {  	_ =	shalt  }
0x72: {  	_ =	shalt  }
0x73: {  	_ =	shalt  }
0x74: {  	_ =	shalt  }
0x75: {  	_ =	shalt  }
0x76: {  	_ =	shalt  }
0x77: {  	_ =	shalt  }
0x78: {  	_ =	shalt  }
0x79: {  	_ =	shalt  }
0x7a: {  	_ =	shalt  }
0x7b: {  	_ =	shalt  }
0x7c: {  	_ =	shalt  }
0x7d: {  	_ =	shalt  }
0x7e: {  	_ =	shalt  }
0x7f: {  	_ =	shalt  }
0x80: {  	_ =	shalt  }
0x81: {  	_ =	shalt  }
0x82: {  	_ =	shalt  }
0x83: {  	_ =	shalt  }
0x84: {  	_ =	shalt  }
0x85: {  	_ =	shalt  }
0x86: {  	_ =	shalt  }
0x87: {  	_ =	shalt  }
.Lfunc_end0:
.L_simem_size_0:
called_computation_lowered:
.L_overlay_start_0:
0x88: {  	s2 =	sld [smem:$0x3FD9]  }
0x89: {  	s3 =	sld [smem:$0x3FFE];
	_ =	sdelay $0x1  }
0x8a: {  	s1 =	srdreg.scid  }
0x8b: {  	s0 =	sand.u32 $0x1, s1  }
0x8c: {  	s16 =	sshll.u32 s0, $0xA;
	s2 =	sadd.s32 s3, s2  }
0x8d: {  	s2 =	sadd.s32 s2, s16  }
0x8e: {  	[smem:$0x3FC0] =	sst s2  }
0x8f: {  	_ = 	snop  }
0x90: {  	(tm) =	ssettm $0x1  }
0x91: {  	s17 =	sld [smem:$0x3FFB];
	_ =	sdelay $0x3  }
0x92: {  	_ =	strace s17  }
0x93: {  	s2 =	sld [smem:$0x3FFC];
	_ =	sdelay $0x3  }
0x94: {  	_ =	strace s2  }
0x95: {  	s2 =	sld [smem:$0x3FFD];
	_ =	sdelay $0x3  }
0x96: {  	_ =	strace s2  }
0x97: {  	_ =	strace $0x8FFFFFFF  }
0x98: {  	s18 =	sld [smem:$0x3FDB];
	_ =	sdelay $0x1  }
0x99: {  	s19 =	simm.s32 $_scs_section_size  }
0x9a: {  	s4 =	simm.s32 $_size__tile_overlayer_lowered;
	s5 =	simm.s32 $_tile_overlayer_lowered  }
0x9b: {  	s22 =	simm.s32 $0x1BFF;
	s21 =	sshll.u32 s5, $0x1;
	s2 =	sadd.s32 s19, s18  }
0x9c: {  	s6 =	simm.s32 $0x0;
	s20 =	sshll.u32 s4, $0x1;
	s4 =	sadd.s32 s21, s2  }
0x9d: {  	[timem:s6], [sflag:s22] =	dma.local [hbm:s4], s20  }
0x9e: {  	_ =	swait.ge [sflag:s22], s20  }
0x9f: {  	s3 =	ssub.s32 $0x0, s20;
	[sflag:s22] =	ssyncset.done $0x0  }
0xa0: {  	[sflag:s22] =	ssyncadd.s32 s3;
	_ =	sdelay $0x1  }
0xa1: {  	s23 =	simm.s32 $0x1B8B  }
0xa2: {  	_ =	swait.ge [sflag:s23], $0x1  }
0xa3: {  	[sflag:s23] =	ssyncset.done $0x0  }
0xa4: {  	s25 =	simm.s32 $0x1B8E;
	s24 =	sld [smem:$0x3FFE];
	[sflag:s23] =	ssyncadd.s32 $0xFFFFFFFF  }
0xa5: {  	s26 =	simm.s32 $execute0_lowered;
	[smem:$0x3FD2] =	sst s25  }
0xa6: {  	s4 =	sshll.u32 s26, $0x1;
	_ =	strace $0x80000046;
	[dreg:$0x1] =	wrdreg $0xFFFFFFFF  }
0xa7: {  	s28 =	simm.s32 $_size_execute0_lowered;
	s2 =	sadd.s32 s2, s4;
	[dreg:$0x0] =	wrdreg $0x0  }
0xa8: {  	s4 =	sshll.u32 s28, $0x1;
	[dreg:$0x2] =	wrdreg s2  }
0xa9: {  	[dreg:$0x3] =	wrdreg s4  }
0xaa: {  	[dreg:$0x4] =	wrdreg $0xC0  }
0xab: {  	_ =	task [dreg:s6], $0x5FFFF  }
0xac: {  	[dreg:$0x1] =	wrdreg $0xFFFFFFFF  }
0xad: {  	[dreg:$0x0] =	wrdreg $0x60  }
0xae: {  	[dreg:$0x2] =	wrdreg s24  }
0xaf: {  	[dreg:$0x3] =	wrdreg $0x97000  }
0xb0: {  	[dreg:$0x4] =	wrdreg $0x148C00  }
0xb1: {  	[dreg:$0x5] =	wrdreg $0x9  }
0xb2: {  	_ =	task.clear_ibuf [dreg:s6], $0x6FFFF;
	_ =	strace $0x90000046  }
0xb3: {  	s29 =	simm.s32 $0x9;
	_ =	strace $0x80000048  }
0xb4: {  	_ =	swait.ge [sflag:s29], $0x1  }
0xb5: {  	[sflag:s29] =	ssyncadd.s32 $0xFFFFFFFF  }
0xb6: {  	_ =	strace $0x90000048  }
0xb7: {  	_ =	sfence  }
0xb8: {  	s30 =	sld [smem:$0x0];
	_ =	sdelay $0x2  }
0xb9: {  	s31 =	sshll.u32 s1, $0xD;
	s1 =	sshrl.u32 s1, $0x2  }
0xba: {  	s3 =	sand.u32 $0x4000, s31;
	s1 =	sadd.s32 s1, s30  }
0xbb: {  	s0 =	sor.u32 s3, s0;
	s1 =	sshll.u32 s1, $0x11  }
0xbc: {  	s0 =	sor.u32 s1, s0  }
0xbd: {  	s0 =	sadd.s32 $0x8F2B, s0  }
0xbe: {  	[sflag:s0] =	ssyncadd.remote.s32 $0x1  }
0xbf: {  	_ =	sfence.sel $0xFFFF  }
0xc0: {  	[dreg:$0x0] =	wrdreg $0xFFFFFFFF;
	(pc) =	sbr.abs _section_cstart, $3  }
0xc1: {  	[dreg:$0x1] =	wrdreg $0xFFFFFFFF  }
0xc2: {  	_ =	task.clear_ibuf [dreg:s6], $0x2FFFF;
	_ =	strace $0x9FFFFFFF  }
0xc3: {  	(tm) =	ssettm $0x7FFFFFFF  }
tec
execute0_lowered:
.L_overlay_start_1:
0x0: {  	(tag) =	ssettag $0x1  }
0x1: {  	s0 =	rddreg [dreg:$0x0]  }
0x2: {  	s2 =	rddreg [dreg:$0x1]  }
0x3: {  	s3 =	rddreg [dreg:$0x2];
	s1 =	stileid.u32  }
0x4: {  	s5 =	srdreg.scid;
	s4 =	simm.s32 $0x0;
	s17 =	simm.s32 $0x1  }
0x5: {  	s18 =	simm.s32 $0x80;
	s19 =	simm.s32 $0x4F00;
	s20 =	simm.s32 $0x7300  }
0x6: {  	s21 =	simm.s32 $0x3;
	s22 =	simm.s32 $0x2;
	s23 =	simm.s32 $0x4C00  }
0x7: {  	s24 =	simm.s32 $0x2600;
	s28 =	simm.s32 $0x4D00;
	s29 =	simm.s32 $0x4D80  }
0x8: {  	s30 =	simm.s32 $0x0;
	s7 =	smul.u32 $0xB1C0, s1;
	s5 =	sand.u32 $0x1, s5  }
0x9: {  	[smem:$0x7FF] =	sst s4;
	s10 =	sadd.s32 $0xBA00, s0;
	s11 =	sadd.s32 $0x1C00, s0  }
0xa: {  	s25 =	sshll.u32 s1, $0x6;
	s31 =	sshll.u32 s1, $0x4;
	s6 =	smul.u32 $0xB1C00, s5  }
0xb: {  	_ =	strace $0x80000047;
	s9 =	ssub.s32 $0x2, s5;
	s5 =	sshll.u32 s5, $0x4  }
0xc: {  	s8 =	sshrl.u32 s7, $0x3;
	s12 =	sshrl.u32 s9, $0x1;
	s14 =	sor.u32 s1, s5  }
0xd: {  	s15 =	sadd.s32 s7, s2;
	s16 =	sadd.s32 s7, s3;
	s6 =	sadd.s32 s7, s6  }
0xe: {  	s8 =	sadd.s32 s8, s0;
	s13 =	ssub.s32 s9, s12;
	s26 =	smul.u32 $0x4E0, s14  }
0xf: {  	s12 =	sor.u32 $0x9C00, s31;
	p0 =	sgt.u32 s14, $0x3;
	s14 =	sshrl.u32 s15, $0x3  }
0x10: {  	s15 =	sshrl.u32 s16, $0x3;
	s16 =	simm.s32 $0x2700;
	s6 =	sshrl.u32 s6, $0x3  }
0x11: {  	s5 =	sadd.s32 $0x15800, s8;
	s7 =	sadd.s32 $0x2BC00, s8;
	s13 =	smax.u32 s13, $0x1  }
0x12: {  	s0 =	sadd.s32 s6, s0;
	s6 =	sor.u32 $0x1C01, s25;
	s8 =	sadd.s32 s10, s26  }
0x13: {  	s9 =	sadd.s32 s11, s26;
	s10 =	sadd.s32 s10, s12;
	s11 =	sadd.s32 s11, s12  }
0x14: {  	s25 =	simm.s32 $0x4C80;
	s26 =	simm.s32 $0x2680;
	s12 =	sadd.s32 $0x42000, s0  }
.LBB2_1:
0x15: {  	[spmem:s14], [sflag:s6] =	dma.local [hbm:s5], $0x1638  }
0x16: {  	[spmem:s15], [sflag:s6] =	dma.local [hbm:s7], $0x1638  }
0x17: {  	[tilespmem:s4], [sflag:$0x1] =	stream.linear.gather [hbm4b:s8+s4], $0x2700, $0x38;
	[tilespmem:$0x1FA80] =	vst v63  }
0x18: {  	_ = 	snop  }
0x19: {  	[tilespmem:s16], [sflag:$0x1] =	stream.linear.gather [hbm4b:s9+s4], $0x2700, $0x38;
	[tilespmem:$0x1FA80] =	vst v63  }
0x1a: {  	_ =	swait.ge [sflag:s17], $0x1638  }
0x1b: {  	[sflag:s17] =	ssyncset.done $0x0  }
0x1c: {  	[sflag:s17] =	ssyncadd.s32 $0xFFFFE9C8  }
0x1d: {  	_ =	swait.ge [sflag:s17], $0x1638  }
0x1e: {  	[sflag:s17] =	ssyncset.done $0x0  }
0x1f: {  	[sflag:s17] =	ssyncadd.s32 $0xFFFFE9C8  }
0x20: {  	_ =	swait.ge [sflag:s17], $0x2700  }
0x21: {  	[sflag:s17] =	ssyncset.done $0x0  }
0x22: {  	[sflag:s17] =	ssyncadd.s32 $0xFFFFD900  }
0x23: {  	_ =	swait.ge [sflag:s17], $0x2700  }
0x24: {  	[sflag:s17] =	ssyncset.done $0x0  }
0x25: {  	s0 =	simm.s32 @!p0 $0x0;
	s31 =	simm.s32 @!p0 $0x4E00;
	[sflag:s17] =	ssyncadd.s32 $0xFFFFD900  }
0x26: {  	[tilespmem:s31], [sflag:$0x1] =	stream.linear.gather @!p0 [hbm4b:s10+s0], $0x80, $0x38;
	[tilespmem:$0x1FA80] =	vst v63  }
0x27: {  	s31 =	simm.s32 @!p0 $0x4E80  }
0x28: {  	[tilespmem:s31], [sflag:$0x1] =	stream.linear.gather @!p0 [hbm4b:s11+s0], $0x80, $0x38;
	[tilespmem:$0x1FA80] =	vst v63  }
0x29: {  	s0 =	simm.s32 @!p0 $0x1  }
0x2a: {  	_ =	swait.ge @!p0 [sflag:s0], $0x80  }
0x2b: {  	[sflag:s0] =	ssyncset.done @!p0 $0x0  }
0x2c: {  	[sflag:s0] =	ssyncadd.s32 @!p0 $0xFFFFFF80  }
0x2d: {  	_ =	swait.ge @!p0 [sflag:s0], $0x80  }
0x2e: {  	[sflag:s0] =	ssyncset.done @!p0 $0x0  }
0x2f: {  	[sflag:s0] =	ssyncadd.s32 @!p0 $0xFFFFFF80  }
0x30: {  	[bflag:$0x0] =	sbarrier.arrive $0xFFFF  }
0x31: {  	[tilespmem:s19], [sflag:$0x1] =	stream.indirect.gather [spmem:s2], $0x48, s4, s18, $0xb8;
	[tilespmem:$0x1FA80] =	vst v63  }
0x32: {  	_ = 	snop  }
0x33: {  	[tilespmem:s20], [sflag:$0x2] =	stream.indirect.gather [spmem:s2], $0x48, s18, s18, $0xb8;
	[tilespmem:$0x1FA80] =	vst v63  }
0x34: {  	_ =	swait.ge [sflag:s17], $0x2400  }
0x35: {  	[sflag:s17] =	ssyncset.done $0x0  }
0x36: {  	s1 =	simm.s32 $0x2700;
	[sflag:s17] =	ssyncadd.s32 $0xFFFFDC00  }
0x37: {  	[spmem:s3] =	stream.indirect.scatter.add.f32 [tilespmem:s19], [sflag:$0x3], $0x48, s1, s18, $0xb8;
	[tilespmem:$0x1FA80] =	vst v63  }
0x38: {  	_ =	swait.ge [sflag:s21], $0x2400  }
0x39: {  	[sflag:s21] =	ssyncset.done $0x0  }
0x3a: {  	s1 =	simm.s32 $0x100;
	[sflag:s21] =	ssyncadd.s32 $0xFFFFDC00  }
0x3b: {  	[tilespmem:s19], [sflag:$0x1] =	stream.indirect.gather [spmem:s2], $0x48, s1, s18, $0xb8;
	[tilespmem:$0x1FA80] =	vst v63  }
0x3c: {  	_ =	swait.ge [sflag:s22], $0x2400  }
0x3d: {  	[sflag:s22] =	ssyncset.done $0x0  }
0x3e: {  	s1 =	simm.s32 $0x2780;
	[sflag:s22] =	ssyncadd.s32 $0xFFFFDC00  }
0x3f: {  	[spmem:s3] =	stream.indirect.scatter.add.f32 [tilespmem:s20], [sflag:$0x3], $0x48, s1, s18, $0xb8;
	[tilespmem:$0x1FA80] =	vst v63  }
0x40: {  	_ =	swait.ge [sflag:s21], $0x2400  }
0x41: {  	[sflag:s21] =	ssyncset.done $0x0  }
0x42: {  	s31 =	simm.s32 $0x400;
	s0 =	simm.s32 $0x180;
	[sflag:s21] =	ssyncadd.s32 $0xFFFFDC00  }
.LBB2_2:
0x43: {  	[tilespmem:s20], [sflag:$0x2] =	stream.indirect.gather [spmem:s2], $0x48, s0, s18, $0xb8;
	[tilespmem:$0x1FA80] =	vst v63  }
0x44: {  	s0 =	smov.u32 s31  }
0x45: {  	p1 =	sne.s32 s31, $0x9000;
	s31 =	sadd.s32 $0x400, s31;
	_ =	swait.ge [sflag:s17], $0x2400  }
0x46: {  	s0 =	sshra.s32 s0, $0x2;
	[sflag:s17] =	ssyncset.done $0x0  }
0x47: {  	s1 =	sadd.s32 $0x2700, s0;
	[sflag:s17] =	ssyncadd.s32 $0xFFFFDC00  }
0x48: {  	[spmem:s3] =	stream.indirect.scatter.add.f32 [tilespmem:s19], [sflag:$0x3], $0x48, s1, s18, $0xb8;
	[tilespmem:$0x1FA80] =	vst v63  }
0x49: {  	_ =	swait.ge [sflag:s21], $0x2400  }
0x4a: {  	[sflag:s21] =	ssyncset.done $0x0  }
0x4b: {  	s1 =	sadd.s32 $0x100, s0;
	[sflag:s21] =	ssyncadd.s32 $0xFFFFDC00  }
0x4c: {  	[tilespmem:s19], [sflag:$0x1] =	stream.indirect.gather [spmem:s2], $0x48, s1, s18, $0xb8;
	[tilespmem:$0x1FA80] =	vst v63  }
0x4d: {  	_ =	swait.ge [sflag:s22], $0x2400  }
0x4e: {  	[sflag:s22] =	ssyncset.done $0x0  }
.Ltmp0:
0x4f: {  	s1 =	sadd.s32 $0x2780, s0;
	[sflag:s22] =	ssyncadd.s32 $0xFFFFDC00;
	(pc) =	sbr.rel @p1 .LBB2_2-.Ltmp0, $4  }
0x50: {  	[spmem:s3] =	stream.indirect.scatter.add.f32 [tilespmem:s20], [sflag:$0x3], $0x48, s1, s18, $0xb8;
	[tilespmem:$0x1FA80] =	vst v63  }
0x51: {  	_ =	swait.ge [sflag:s21], $0x2400  }
0x52: {  	[sflag:s21] =	ssyncset.done $0x0  }
0x53: {  	s0 =	sadd.s32 $0x180, s0;
	[sflag:s21] =	ssyncadd.s32 $0xFFFFDC00  }
0x54: {  	[tilespmem:s20], [sflag:$0x2] =	stream.indirect.gather [spmem:s2], $0x48, s0, s18, $0xb8;
	[tilespmem:$0x1FA80] =	vst v63  }
0x55: {  	_ =	swait.ge [sflag:s17], $0x2400  }
0x56: {  	[sflag:s17] =	ssyncset.done $0x0  }
0x57: {  	[sflag:s17] =	ssyncadd.s32 $0xFFFFDC00  }
0x58: {  	[spmem:s3] =	stream.indirect.scatter.add.f32 [tilespmem:s19], [sflag:$0x3], $0x48, s23, s18, $0xb8;
	[tilespmem:$0x1FA80] =	vst v63  }
0x59: {  	_ =	swait.ge [sflag:s21], $0x2400  }
0x5a: {  	[sflag:s21] =	ssyncset.done $0x0  }
0x5b: {  	[sflag:s21] =	ssyncadd.s32 $0xFFFFDC00  }
0x5c: {  	[tilespmem:s19], [sflag:$0x1] =	stream.indirect.gather [spmem:s2], $0x48, s24, s18, $0xb8;
	[tilespmem:$0x1FA80] =	vst v63  }
0x5d: {  	_ =	swait.ge [sflag:s22], $0x2400  }
0x5e: {  	[sflag:s22] =	ssyncset.done $0x0  }
0x5f: {  	[sflag:s22] =	ssyncadd.s32 $0xFFFFDC00  }
0x60: {  	[spmem:s3] =	stream.indirect.scatter.add.f32 [tilespmem:s20], [sflag:$0x3], $0x48, s25, s18, $0xb8;
	[tilespmem:$0x1FA80] =	vst v63  }
0x61: {  	_ =	swait.ge [sflag:s21], $0x2400  }
0x62: {  	[sflag:s21] =	ssyncset.done $0x0  }
0x63: {  	[sflag:s21] =	ssyncadd.s32 $0xFFFFDC00  }
0x64: {  	[tilespmem:s20], [sflag:$0x2] =	stream.indirect.gather [spmem:s2], $0x48, s26, s18, $0xb8;
	[tilespmem:$0x1FA80] =	vst v63  }
0x65: {  	_ =	swait.ge [sflag:s17], $0x2400  }
0x66: {  	[sflag:s17] =	ssyncset.done $0x0  }
0x67: {  	[sflag:s17] =	ssyncadd.s32 $0xFFFFDC00  }
0x68: {  	[spmem:s3] =	stream.indirect.scatter.add.f32 [tilespmem:s19], [sflag:$0x3], $0x48, s28, s18, $0xb8;
	[tilespmem:$0x1FA80] =	vst v63  }
0x69: {  	_ =	swait.ge [sflag:s21], $0x2400  }
0x6a: {  	[sflag:s21] =	ssyncset.done $0x0  }
0x6b: {  	[sflag:s21] =	ssyncadd.s32 $0xFFFFDC00  }
0x6c: {  	[tilespmem:s19], [sflag:$0x1] =	stream.indirect.gather [spmem:s2], $0x48, s26, s18, $0xb8;
	[tilespmem:$0x1FA80] =	vst v63  }
0x6d: {  	_ =	swait.ge [sflag:s22], $0x2400  }
0x6e: {  	[sflag:s22] =	ssyncset.done $0x0  }
0x6f: {  	[sflag:s22] =	ssyncadd.s32 $0xFFFFDC00  }
0x70: {  	[spmem:s3] =	stream.indirect.scatter.add.f32 [tilespmem:s20], [sflag:$0x3], $0x48, s29, s18, $0xb8;
	[tilespmem:$0x1FA80] =	vst v63  }
0x71: {  	_ =	swait.ge [sflag:s21], $0x2400  }
0x72: {  	[sflag:s21] =	ssyncset.done $0x0  }
0x73: {  	[sflag:s21] =	ssyncadd.s32 $0xFFFFDC00  }
0x74: {  	[tilespmem:s20], [sflag:$0x2] =	stream.indirect.gather [spmem:s2], $0x48, s26, s18, $0xb8;
	[tilespmem:$0x1FA80] =	vst v63  }
0x75: {  	_ =	swait.ge [sflag:s17], $0x2400  }
0x76: {  	[sflag:s17] =	ssyncset.done $0x0  }
0x77: {  	[sflag:s17] =	ssyncadd.s32 $0xFFFFDC00  }
0x78: {  	_ =	swait.ge [sflag:s22], $0x2400  }
0x79: {  	s0 =	simm.s32 @!p0 $0x80;
	[sflag:s22] =	ssyncset.done $0x0  }
0x7a: {  	s1 =	simm.s32 @!p0 $0x4E00;
	s31 =	simm.s32 @!p0 $0x4F00;
	[sflag:s22] =	ssyncadd.s32 $0xFFFFDC00  }
0x7b: {  	[tilespmem:s31], [sflag:$0x1] =	stream.indirect.gather @!p0 [spmem:s2], $0x48, s1, s0, $0xb8;
	[tilespmem:$0x1FA80] =	vst v63  }
0x7c: {  	s1 =	simm.s32 @!p0 $0x1  }
0x7d: {  	_ =	swait.ge @!p0 [sflag:s1], $0x2400  }
0x7e: {  	[sflag:s1] =	ssyncset.done @!p0 $0x0  }
0x7f: {  	[sflag:s1] =	ssyncadd.s32 @!p0 $0xFFFFDC00;
	s1 =	simm.s32 @!p0 $0x4E80  }
0x80: {  	[spmem:s3] =	stream.indirect.scatter.add.f32 @!p0 [tilespmem:s31], [sflag:$0x3], $0x48, s1, s0, $0xb8;
	[tilespmem:$0x1FA80] =	vst v63  }
0x81: {  	s0 =	simm.s32 @!p0 $0x3  }
0x82: {  	_ =	swait.ge @!p0 [sflag:s0], $0x2400  }
0x83: {  	s30 =	sadd.s32 $0x1, s30;
	[sflag:s0] =	ssyncset.done @!p0 $0x0  }
0x84: {  	p1 =	sne.s32 s30, s13;
	[sflag:s0] =	ssyncadd.s32 @!p0 $0xFFFFDC00  }
.Ltmp1:
0x85: {  	[bflag:$0x0] =	sbarrier.arrive $0xFFFF;
	(pc) =	sbr.rel @p1 .LBB2_1-.Ltmp1, $4  }
0x86: {  	[hbm:s12], [sflag:s6] =	dma.local [spmem:s15], $0x1638  }
0x87: {  	_ =	swait.ge [sflag:s17], $0x1638  }
0x88: {  	[sflag:s17] =	ssyncset.done $0x0  }
0x89: {  	[sflag:s17] =	ssyncadd.s32 $0xFFFFE9C8  }
0x8a: {  	_ =	sfence.sel $0x180000  }
0x8b: {  	[bflag:$0x0] =	sbarrier.arrive $0xFFFF  }
0x8c: {  	_ =	strace $0x90000047  }
0x8d: {  	s0 =	stileid.u32;
	[bflag:$0x2] =	sbarrier.arrive $0xFFFF  }
0x8e: {  	p0 =	sne.s32 s0, $0x0;
	s0 =	rddreg [dreg:$0x3]  }
0x8f: {  	s0 =	sadd.s32 @!p0 $0x100000, s0  }
0x90: {  	[sflag:s0] =	ssyncadd.tile.s32 @!p0 $0x1;
	_ =	shalt  }
.Lfunc_end2:
_tile_overlayer_lowered:
.L_overlay_start_2:
0x91: {  	(tag) =	ssettag $0x2  }
0x92: {  	s0 =	rddreg [dreg:$0x0];
	s2 =	stileid.u32  }
0x93: {  	s1 =	rddreg [dreg:$0x1];
	p0 =	sne.s32 s2, $0x0  }
0x94: {  	s3 =	rddreg [dreg:$0x2];
	[bflag:$0x3] =	sbarrier.arrive $0xFFFF;
	s2 =	simm.s32 @!p0 $0x1C03  }
0x95: {  	[timem:s3], [sflag:s2] =	dma.local @!p0 [hbm:s0], s1  }
0x96: {  	s0 =	simm.s32 @!p0 $0x3  }
0x97: {  	_ =	swait.ge @!p0 [sflag:s0], s1  }
0x98: {  	s1 =	ssub.s32 @!p0 $0x0, s1;
	[sflag:s0] =	ssyncset.done @!p0 $0x0  }
0x99: {  	[sflag:s0] =	ssyncadd.s32 @!p0 s1  }
0x9a: {  	[bflag:$0x3] =	sbarrier.arrive $0xFFFF  }
0x9b: {  	_ =	shalt  }

</sc_bundles>
